<compile_context>
chip_gen: v7x
topology: tpu7x:2x2x1
jax: 0.10.2.dev20260603
libtpu: 0.0.44.dev20260713+nightly
codegen_flags: <defaults>
</compile_context>

<pallas_src>
import functools
import math

import jax
import jax.numpy as jnp
from jax import lax
from jax.experimental import pallas as pl
from jax.experimental.pallas import tpu as pltpu
from jax.experimental.pallas import tpu_sc as plsc

_D = 1048576
_N = 10
_DBLK = 8192
_NBLK = _D // _DBLK
_LN4 = math.log(4.0)

_NW = 32
_RPW = _D // _NW
_CH = 8192


def _stage1_body(x_ref, w_ref, gacc, sacc):
    i = pl.program_id(0)
    blk = x_ref[...]
    bb = blk.astype(jnp.bfloat16)
    g = lax.dot_general(bb, bb, (((0,), (0,)), ((), ())),
                        preferred_element_type=jnp.float32)
    sq = jnp.sum(blk * blk, axis=0, keepdims=True)

    @pl.when(i == 0)
    def _():
        gacc[...] = g
        sacc[...] = sq

    @pl.when(i > 0)
    def _():
        gacc[...] = gacc[...] + g
        sacc[...] = sacc[...] + sq

    @pl.when(i == _NBLK - 1)
    def _():
        G = gacc[...]
        sn = sacc[...]
        lane10 = lax.broadcasted_iota(jnp.int32, (1, _N), 1)
        lanes2 = lax.broadcasted_iota(jnp.int32, (_N, _N), 1)
        rows2 = lax.broadcasted_iota(jnp.int32, (_N, _N), 0)
        rowc = lax.broadcasted_iota(jnp.int32, (_N, 1), 0)
        BIGF = jnp.float32(3.0e38)
        BIGI = jnp.int32(999)

        sncol = jnp.zeros((_N, _N), jnp.float32)
        for k in range(_N):
            snk = jnp.sum(jnp.where(lane10 == k, sn, 0.0))
            sncol = sncol + jnp.where(rows2 == k, snk, 0.0)
        snrow = jnp.broadcast_to(sn, (_N, _N))
        sqm = (sncol + snrow) - 2.0 * G
        cd = jnp.sqrt(jnp.maximum(sqm, jnp.float32(1e-12)))

        cur_mask = lanes2 >= 0
        vals = []
        idxs = []
        for k in range(4):
            curv = jnp.where(cur_mask, cd, BIGF)
            mk = jnp.min(curv, axis=1, keepdims=True)
            jk = jnp.min(jnp.where(curv == mk, lanes2, BIGI),
                         axis=1, keepdims=True)
            cur_mask = cur_mask & (lanes2 != jk)
            vals.append(mk)
            idxs.append(jk)
        s = ((vals[0] + vals[1]) + vals[2]) + vals[3]

        smin = jnp.min(s)
        istar = jnp.min(jnp.where(s == smin, rowc, BIGI))

        ii = []
        sc = []
        for k in range(4):
            iik = jnp.sum(jnp.where(rowc == istar, idxs[k], 0))
            ii.append(iik)
            sc.append(jnp.sum(jnp.where(rowc == iik, s, 0.0)))

        lane128 = lax.broadcasted_iota(jnp.int32, (1, 128), 1)
        m4 = lane128 < 4
        sv = jnp.zeros((1, 128), jnp.float32)
        for k in range(4):
            sv = sv + jnp.where(lane128 == k, sc[k], 0.0)

        mn = jnp.min(jnp.where(m4, sv, BIGF))
        mx = jnp.max(jnp.where(m4, sv, -BIGF))
        neq = mn != mx
        denom = jnp.where(neq, mx - mn, jnp.float32(1.0))
        nor = jnp.where(neq, (mx - sv) / denom, sv)
        nor = jnp.where(m4, nor, 0.0)
        tot = jnp.sum(nor)
        p = nor / tot
        pn0 = p != 0.0
        ent = jnp.sum(jnp.where(m4 & pn0,
                                p * jnp.log(jnp.where(pn0, p, 1.0)), 0.0))
        Es = (-1.0 / _LN4) * ent

        rep = jnp.where(m4, jnp.float32(0.05), 0.0)
        totr = jnp.sum(rep)
        q = rep / totr
        qn0 = q != 0.0
        entr = jnp.sum(jnp.where(m4 & qn0,
                                 q * jnp.log(jnp.where(qn0, q, 1.0)), 0.0))
        Er = (-1.0 / _LN4) * entr

        alpha = (1.0 - Es) / (2.0 - Es - Er)
        beta = (1.0 - Er) / (2.0 - Es - Er)
        xin = jnp.where(m4, alpha * sv + beta * rep, 0.0)
        xi = xin / jnp.sum(xin)

        w = jnp.zeros((1, 128), jnp.float32)
        for k in range(4):
            xik = jnp.sum(jnp.where(lane128 == k, xi, 0.0))
            w = w + jnp.where(lane128 == k, xik, 0.0)
            w = w + jnp.where(lane128 == 4 + k, ii[k].astype(jnp.float32), 0.0)
        w_ref[...] = w


def _stage1(x2d):
    return pl.pallas_call(
        _stage1_body,
        grid=(_NBLK,),
        in_specs=[pl.BlockSpec((_DBLK, _N), lambda i: (i, 0))],
        out_specs=pl.BlockSpec((1, 128), lambda i: (0, 0)),
        out_shape=jax.ShapeDtypeStruct((1, 128), jnp.float32),
        scratch_shapes=[pltpu.VMEM((_N, _N), jnp.float32),
                        pltpu.VMEM((1, _N), jnp.float32)],
    )(x2d)


def _stage2(x1d, wflat, iflat):
    mesh = plsc.VectorSubcoreMesh(core_axis_name="c", subcore_axis_name="s")

    @functools.partial(
        pl.kernel,
        mesh=mesh,
        out_type=jax.ShapeDtypeStruct((_D,), jnp.float32),
        compiler_params=pltpu.CompilerParams(needs_layout_passes=False),
        scratch_types=[pltpu.VMEM((_CH * _N,), jnp.float32),
                       pltpu.VMEM((_CH,), jnp.float32),
                       pltpu.VMEM((4 * 16,), jnp.float32),
                       pltpu.VMEM((4 * 16,), jnp.int32)],
    )
    def k(x_hbm, w_hbm, i_hbm, out_hbm, xv, ov, wv, iv):
        wid = lax.axis_index("s") * 2 + lax.axis_index("c")
        pltpu.sync_copy(w_hbm, wv)
        pltpu.sync_copy(i_hbm, iv)
        for c in range(_RPW // _CH):
            base = wid * _RPW + c * _CH
            pltpu.sync_copy(x_hbm.at[pl.ds(base * _N, _CH * _N)], xv)

            def body(gi, carry):
                flat = (gi * 16 + lax.iota(jnp.int32, 16)) * _N
                acc = None
                for j in range(4):
                    v = plsc.load_gather(xv, [flat + iv[pl.ds(j * 16, 16)]])
                    t = v * wv[pl.ds(j * 16, 16)]
                    acc = t if acc is None else acc + t
                ov[pl.ds(gi * 16, 16)] = acc
                return carry

            lax.fori_loop(0, _CH // 16, body, 0)
            pltpu.sync_copy(ov, out_hbm.at[pl.ds(base, _CH)])

    return k(x1d, wflat, iflat)


def kernel(input):
    x2d = input.reshape(_D, _N)
    w128 = _stage1(x2d)
    w4 = w128[0, 0:4]
    i4 = w128[0, 4:8].astype(jnp.int32)
    wflat = jnp.broadcast_to(w4[:, None], (4, 16)).reshape(4 * 16)
    iflat = jnp.broadcast_to(i4[:, None], (4, 16)).reshape(4 * 16)
    out = _stage2(input.reshape(_D * _N), wflat, iflat)
    return out.reshape(1, _D, 1)

# --- scband reference (transcript-rebuilt; emitter-appended) ---
"""Pipeline reference for scband-net-87892210745629 (READ-ONLY COPY).

The authoritative reference and input builder live on the scoring server;
editing this copy changes nothing except your own understanding.
"""

import jax, jax.numpy as jnp
import numpy as np
import math


def setup_inputs(seed: int = 0) -> dict:
    key = jax.random.key(seed)
    x = jax.random.normal(key, (1, 1048576, 10), dtype=jnp.float32)
    return {"input": x}


def _entropy_sum(p_row):
    # sum over i of p[i]*log(p[i]) skipping zeros (matches the torch loop)
    safe = jnp.where(p_row != 0, p_row, 1.0)
    return jnp.sum(jnp.where(p_row != 0, p_row * jnp.log(safe), 0.0))


def _min_normal_s(data):
    mn = data.min()
    mx = data.max()
    denom = jnp.where(mn != mx, mx - mn, 1.0)
    normalized = jnp.where(mn != mx, (mx - data) / denom, data)
    total = jnp.sum(normalized)
    p = normalized / total
    E_s = (-1.0 / math.log(4)) * _entropy_sum(p[0, :4])
    return normalized, E_s


def _min_normal_r(data):
    mn = data.min()
    mx = data.max()
    denom = jnp.where(mn != mx, mx - mn, 1.0)
    normalized = jnp.where(mn != mx, (data - mn) / denom, data)
    total = jnp.sum(normalized)
    q = normalized / total
    E_r = (-1.0 / math.log(4)) * _entropy_sum(q[0, :4])
    return normalized, E_r


def _get_krum(inp):
    B, d, n = inp.shape  # n == 10
    f = n // 2
    k = n - f - 2  # 3 -> k+1 = 4 neighbors
    x = jnp.transpose(inp, (0, 2, 1))  # [B, n, d]
    # pairwise euclidean distances (cdist p=2) via gram matrix
    sq_norm = jnp.sum(x * x, axis=-1)  # [B, n]
    gram = jnp.einsum('bid,bjd->bij', x, x)  # [B, n, n]
    sq = sq_norm[:, :, None] + sq_norm[:, None, :] - 2.0 * gram
    cdist = jnp.sqrt(jnp.maximum(sq, 1e-12))
    # topk smallest k+1 distances
    neg_vals, nbh = jax.lax.top_k(-cdist, k + 1)
    nbhDist = -neg_vals  # [B, n, k+1] ascending
    sum_nbhDist = nbhDist.sum(2)  # [B, n]
    i_star = jnp.argmin(sum_nbhDist.reshape(-1))  # B == 1
    ii_star = nbh[:, i_star, :]  # [B, 4]
    ii0 = ii_star[0]  # [4]
    score1 = nbhDist[:, ii0, :]  # [B, 4, k+1]
    score = score1.sum(2)  # [B, 4]
    nor_s, Es = _min_normal_s(score)
    # r_all update (global starts at zeros; |0| < 1 so condition always true)
    r_all = jnp.zeros(n, dtype=inp.dtype)
    member = (jnp.arange(n)[:, None] == ii0[None, :]).any(axis=1)
    r_all = jnp.where(member, r_all + 0.05, r_all - sum_nbhDist[0] / 4.0 * 0.1)
    reputation = r_all[ii0][None, :]  # [1, 4]
    nor_r, Er = _min_normal_r(reputation)
    alpha = (1.0 - Es) / (2.0 - Es - Er)
    beta = (1.0 - Er) / (2.0 - Es - Er)
    xi_num = alpha * score[0] + beta * reputation[0]  # [4]
    xi = xi_num / jnp.sum(xi_num)
    krum = inp[:, :, i_star][:, :, None]  # [B, d, 1]
    n_krum = inp[:, :, ii0]  # [B, d, 4]
    n_krum = n_krum * xi[None, None, :]
    new_krum = jnp.sum(n_krum, axis=2)[:, :, None]  # [B, d, 1]
    return krum, new_krum


def reference(input):
    krum, mkrum = _get_krum(input)
    return mkrum  # mode == 'mkrum'

if __name__ == "__main__":
    import jax
    _d = setup_inputs()
    print(jax.jit(kernel)(*tuple(_d.values())))

</pallas_src>

<mosaic_0001>
#map = affine_map<(d0, d1) -> (0)>
module attributes {stable_mosaic.version = 14 : i64} {
  func.func @k(%arg0: i32, %arg1: i32, %arg2: memref<10485760xf32, #tpu.memory_space<hbm>>, %arg3: memref<64xf32, #tpu.memory_space<hbm>>, %arg4: memref<64xi32, #tpu.memory_space<hbm>>, %arg5: memref<1048576xf32, #tpu.memory_space<hbm>>, %arg6: memref<81920xf32, #tpu.memory_space<vmem>>, %arg7: memref<8192xf32, #tpu.memory_space<vmem>>, %arg8: memref<64xf32, #tpu.memory_space<vmem>>, %arg9: memref<64xi32, #tpu.memory_space<vmem>>) attributes {dimension_semantics = [#tpu.dimension_semantics<core_parallel>, #tpu.dimension_semantics<subcore_parallel>], iteration_bounds = array<i64: 2, 16>, scalar_prefetch = 0 : i64, scratch_operands = 4 : i64, tpu.core_type = #tpu.core_type<sc_vector_subcore>, window_params = [{transform_indices = #map}, {transform_indices = #map}, {transform_indices = #map}, {transform_indices = #map}]} {
    %mul3A = arith.constant 2 : i32
    %mul3A_0 = arith.muli %arg1, %mul3A : i32
    %add3A = arith.addi %mul3A_0, %arg0 : i32
    "tpu.region"() ({
      %run_scoped3A = tpu.sem_alloc : memref<!tpu.dma_semaphore, #tpu.memory_space<semaphore_mem>>
      tpu.enqueue_dma source(%arg3 : memref<64xf32, #tpu.memory_space<hbm>>) target(%arg8 : memref<64xf32, #tpu.memory_space<vmem>>) target_semaphore(%run_scoped3A : memref<!tpu.dma_semaphore, #tpu.memory_space<semaphore_mem>>)
      tpu.wait_dma2 semaphore(%run_scoped3A : memref<!tpu.dma_semaphore, #tpu.memory_space<semaphore_mem>>) src(%arg3 : memref<64xf32, #tpu.memory_space<hbm>>) dst(%arg8 : memref<64xf32, #tpu.memory_space<vmem>>)
      tpu.yield
    }) : () -> ()
    "tpu.region"() ({
      %run_scoped3A = tpu.sem_alloc : memref<!tpu.dma_semaphore, #tpu.memory_space<semaphore_mem>>
      tpu.enqueue_dma source(%arg4 : memref<64xi32, #tpu.memory_space<hbm>>) target(%arg9 : memref<64xi32, #tpu.memory_space<vmem>>) target_semaphore(%run_scoped3A : memref<!tpu.dma_semaphore, #tpu.memory_space<semaphore_mem>>)
      tpu.wait_dma2 semaphore(%run_scoped3A : memref<!tpu.dma_semaphore, #tpu.memory_space<semaphore_mem>>) src(%arg4 : memref<64xi32, #tpu.memory_space<hbm>>) dst(%arg9 : memref<64xi32, #tpu.memory_space<vmem>>)
      tpu.yield
    }) : () -> ()
    %mul3A_1 = arith.constant 32768 : i32
    %mul3A_2 = arith.muli %add3A, %mul3A_1 : i32
    %add3A_3 = arith.constant 0 : i32
    %add3A_4 = arith.addi %mul3A_2, %add3A_3 : i32
    %mul3A_5 = arith.constant 10 : i32
    %mul3A_6 = arith.muli %add3A_4, %mul3A_5 : i32
    "tpu.region"() ({
      %run_scoped3A = tpu.sem_alloc : memref<!tpu.dma_semaphore, #tpu.memory_space<semaphore_mem>>
      %dma_start3A = tpu.memref_slice %arg2[%mul3A_6] : memref<10485760xf32, #tpu.memory_space<hbm>> -> memref<81920xf32, #tpu.memory_space<hbm>>
      %dma_start3A_48 = tpu.memref_slice %arg2[%mul3A_6] : memref<10485760xf32, #tpu.memory_space<hbm>> -> memref<81920xf32, #tpu.memory_space<hbm>>
      tpu.enqueue_dma source(%dma_start3A_48 : memref<81920xf32, #tpu.memory_space<hbm>>) target(%arg6 : memref<81920xf32, #tpu.memory_space<vmem>>) target_semaphore(%run_scoped3A : memref<!tpu.dma_semaphore, #tpu.memory_space<semaphore_mem>>)
      %dma_wait3A = tpu.memref_slice %arg2[%mul3A_6] : memref<10485760xf32, #tpu.memory_space<hbm>> -> memref<81920xf32, #tpu.memory_space<hbm>>
      %dma_wait3A_49 = tpu.memref_slice %arg2[%mul3A_6] : memref<10485760xf32, #tpu.memory_space<hbm>> -> memref<81920xf32, #tpu.memory_space<hbm>>
      tpu.wait_dma2 semaphore(%run_scoped3A : memref<!tpu.dma_semaphore, #tpu.memory_space<semaphore_mem>>) src(%dma_wait3A_49 : memref<81920xf32, #tpu.memory_space<hbm>>) dst(%arg6 : memref<81920xf32, #tpu.memory_space<vmem>>)
      tpu.yield
    }) : () -> ()
    %scan3A = arith.constant 0 : i32
    %scan3A_7 = arith.constant 0 : i32
    %scan3A_8 = arith.constant 512 : i32
    %scan3A_9 = arith.addi %scan3A_7, %scan3A_8 : i32
    %scan3A_10 = arith.constant 1 : i32
    scf.for %scan3A_48 = %scan3A_7 to %scan3A_9 step %scan3A_10  : i32 {
      %mul3A_49 = arith.constant 16 : i32
      %mul3A_50 = arith.muli %scan3A_48, %mul3A_49 : i32
      %iota3A = tpu.iota {dimensions = array<i32: 0>} : vector<16xi32>
      %add3A_51 = vector.broadcast %mul3A_50 : i32 to vector<16xi32>
      %add3A_52 = arith.addi %add3A_51, %iota3A : vector<16xi32>
      %mul3A_53 = arith.constant 10 : i32
      %mul3A_54 = vector.broadcast %mul3A_53 : i32 to vector<16xi32>
      %mul3A_55 = arith.muli %add3A_52, %mul3A_54 : vector<16xi32>
      %get3A = arith.constant 0 : index
      %get3A_56 = tpu.vector_load %arg9[%get3A] {strides = array<i32>} : memref<64xi32, #tpu.memory_space<vmem>>, vector<16xi32>,
      %add3A_57 = arith.addi %mul3A_55, %get3A_56 : vector<16xi32>
      %gather3A = tpu.vector_load_idx %arg6[%add3A_57] : memref<81920xf32, #tpu.memory_space<vmem>>[vector<16xi32>], vector<16xf32>,
      %get3A_58 = arith.constant 0 : index
      %get3A_59 = tpu.vector_load %arg8[%get3A_58] {strides = array<i32>} : memref<64xf32, #tpu.memory_space<vmem>>, vector<16xf32>,
      %mul3A_60 = arith.mulf %gather3A, %get3A_59 : vector<16xf32>
      %get3A_61 = arith.constant 16 : index
      %get3A_62 = tpu.vector_load %arg9[%get3A_61] {strides = array<i32>} : memref<64xi32, #tpu.memory_space<vmem>>, vector<16xi32>,
      %add3A_63 = arith.addi %mul3A_55, %get3A_62 : vector<16xi32>
      %gather3A_64 = tpu.vector_load_idx %arg6[%add3A_63] : memref<81920xf32, #tpu.memory_space<vmem>>[vector<16xi32>], vector<16xf32>,
      %get3A_65 = arith.constant 16 : index
      %get3A_66 = tpu.vector_load %arg8[%get3A_65] {strides = array<i32>} : memref<64xf32, #tpu.memory_space<vmem>>, vector<16xf32>,
      %mul3A_67 = arith.mulf %gather3A_64, %get3A_66 : vector<16xf32>
      %add3A_68 = arith.addf %mul3A_60, %mul3A_67 : vector<16xf32>
      %get3A_69 = arith.constant 32 : index
      %get3A_70 = tpu.vector_load %arg9[%get3A_69] {strides = array<i32>} : memref<64xi32, #tpu.memory_space<vmem>>, vector<16xi32>,
      %add3A_71 = arith.addi %mul3A_55, %get3A_70 : vector<16xi32>
      %gather3A_72 = tpu.vector_load_idx %arg6[%add3A_71] : memref<81920xf32, #tpu.memory_space<vmem>>[vector<16xi32>], vector<16xf32>,
      %get3A_73 = arith.constant 32 : index
      %get3A_74 = tpu.vector_load %arg8[%get3A_73] {strides = array<i32>} : memref<64xf32, #tpu.memory_space<vmem>>, vector<16xf32>,
      %mul3A_75 = arith.mulf %gather3A_72, %get3A_74 : vector<16xf32>
      %add3A_76 = arith.addf %add3A_68, %mul3A_75 : vector<16xf32>
      %get3A_77 = arith.constant 48 : index
      %get3A_78 = tpu.vector_load %arg9[%get3A_77] {strides = array<i32>} : memref<64xi32, #tpu.memory_space<vmem>>, vector<16xi32>,
      %add3A_79 = arith.addi %mul3A_55, %get3A_78 : vector<16xi32>
      %gather3A_80 = tpu.vector_load_idx %arg6[%add3A_79] : memref<81920xf32, #tpu.memory_space<vmem>>[vector<16xi32>], vector<16xf32>,
      %get3A_81 = arith.constant 48 : index
      %get3A_82 = tpu.vector_load %arg8[%get3A_81] {strides = array<i32>} : memref<64xf32, #tpu.memory_space<vmem>>, vector<16xf32>,
      %mul3A_83 = arith.mulf %gather3A_80, %get3A_82 : vector<16xf32>
      %add3A_84 = arith.addf %add3A_76, %mul3A_83 : vector<16xf32>
      %mul3A_85 = arith.constant 16 : i32
      %mul3A_86 = arith.muli %scan3A_48, %mul3A_85 : i32
      %swap3A = arith.index_cast %mul3A_86 : i32 to index
      %swap3A_87 = tpu.vector_load %arg7[%swap3A] {strides = array<i32>} : memref<8192xf32, #tpu.memory_space<vmem>>, vector<16xf32>,
      tpu.vector_store %arg7[%swap3A], %add3A_84 {strides = array<i32>} : memref<8192xf32, #tpu.memory_space<vmem>>, vector<16xf32>,
    }
    %scan3A_11 = arith.constant 512 : i32
    "tpu.region"() ({
      %run_scoped3A = tpu.sem_alloc : memref<!tpu.dma_semaphore, #tpu.memory_space<semaphore_mem>>
      %dma_start3A = tpu.memref_slice %arg5[%add3A_4] : memref<1048576xf32, #tpu.memory_space<hbm>> -> memref<8192xf32, #tpu.memory_space<hbm>>
      %dma_start3A_48 = tpu.memref_slice %arg5[%add3A_4] : memref<1048576xf32, #tpu.memory_space<hbm>> -> memref<8192xf32, #tpu.memory_space<hbm>>
      tpu.enqueue_dma source(%arg7 : memref<8192xf32, #tpu.memory_space<vmem>>) target(%dma_start3A_48 : memref<8192xf32, #tpu.memory_space<hbm>>) target_semaphore(%run_scoped3A : memref<!tpu.dma_semaphore, #tpu.memory_space<semaphore_mem>>)
      %dma_wait3A = tpu.memref_slice %arg5[%add3A_4] : memref<1048576xf32, #tpu.memory_space<hbm>> -> memref<8192xf32, #tpu.memory_space<hbm>>
      %dma_wait3A_49 = tpu.memref_slice %arg5[%add3A_4] : memref<1048576xf32, #tpu.memory_space<hbm>> -> memref<8192xf32, #tpu.memory_space<hbm>>
      tpu.wait_dma2 semaphore(%run_scoped3A : memref<!tpu.dma_semaphore, #tpu.memory_space<semaphore_mem>>) src(%arg7 : memref<8192xf32, #tpu.memory_space<vmem>>) dst(%dma_wait3A_49 : memref<8192xf32, #tpu.memory_space<hbm>>)
      tpu.yield
    }) : () -> ()
    %mul3A_12 = arith.constant 32768 : i32
    %mul3A_13 = arith.muli %add3A, %mul3A_12 : i32
    %add3A_14 = arith.constant 8192 : i32
    %add3A_15 = arith.addi %mul3A_13, %add3A_14 : i32
    %mul3A_16 = arith.constant 10 : i32
    %mul3A_17 = arith.muli %add3A_15, %mul3A_16 : i32
    "tpu.region"() ({
      %run_scoped3A = tpu.sem_alloc : memref<!tpu.dma_semaphore, #tpu.memory_space<semaphore_mem>>
      %dma_start3A = tpu.memref_slice %arg2[%mul3A_17] : memref<10485760xf32, #tpu.memory_space<hbm>> -> memref<81920xf32, #tpu.memory_space<hbm>>
      %dma_start3A_48 = tpu.memref_slice %arg2[%mul3A_17] : memref<10485760xf32, #tpu.memory_space<hbm>> -> memref<81920xf32, #tpu.memory_space<hbm>>
      tpu.enqueue_dma source(%dma_start3A_48 : memref<81920xf32, #tpu.memory_space<hbm>>) target(%arg6 : memref<81920xf32, #tpu.memory_space<vmem>>) target_semaphore(%run_scoped3A : memref<!tpu.dma_semaphore, #tpu.memory_space<semaphore_mem>>)
      %dma_wait3A = tpu.memref_slice %arg2[%mul3A_17] : memref<10485760xf32, #tpu.memory_space<hbm>> -> memref<81920xf32, #tpu.memory_space<hbm>>
      %dma_wait3A_49 = tpu.memref_slice %arg2[%mul3A_17] : memref<10485760xf32, #tpu.memory_space<hbm>> -> memref<81920xf32, #tpu.memory_space<hbm>>
      tpu.wait_dma2 semaphore(%run_scoped3A : memref<!tpu.dma_semaphore, #tpu.memory_space<semaphore_mem>>) src(%dma_wait3A_49 : memref<81920xf32, #tpu.memory_space<hbm>>) dst(%arg6 : memref<81920xf32, #tpu.memory_space<vmem>>)
      tpu.yield
    }) : () -> ()
    %scan3A_18 = arith.constant 0 : i32
    %scan3A_19 = arith.constant 0 : i32
    %scan3A_20 = arith.constant 512 : i32
    %scan3A_21 = arith.addi %scan3A_19, %scan3A_20 : i32
    %scan3A_22 = arith.constant 1 : i32
    scf.for %scan3A_48 = %scan3A_19 to %scan3A_21 step %scan3A_22  : i32 {
      %mul3A_49 = arith.constant 16 : i32
      %mul3A_50 = arith.muli %scan3A_48, %mul3A_49 : i32
      %iota3A = tpu.iota {dimensions = array<i32: 0>} : vector<16xi32>
      %add3A_51 = vector.broadcast %mul3A_50 : i32 to vector<16xi32>
      %add3A_52 = arith.addi %add3A_51, %iota3A : vector<16xi32>
      %mul3A_53 = arith.constant 10 : i32
      %mul3A_54 = vector.broadcast %mul3A_53 : i32 to vector<16xi32>
      %mul3A_55 = arith.muli %add3A_52, %mul3A_54 : vector<16xi32>
      %get3A = arith.constant 0 : index
      %get3A_56 = tpu.vector_load %arg9[%get3A] {strides = array<i32>} : memref<64xi32, #tpu.memory_space<vmem>>, vector<16xi32>,
      %add3A_57 = arith.addi %mul3A_55, %get3A_56 : vector<16xi32>
      %gather3A = tpu.vector_load_idx %arg6[%add3A_57] : memref<81920xf32, #tpu.memory_space<vmem>>[vector<16xi32>], vector<16xf32>,
      %get3A_58 = arith.constant 0 : index
      %get3A_59 = tpu.vector_load %arg8[%get3A_58] {strides = array<i32>} : memref<64xf32, #tpu.memory_space<vmem>>, vector<16xf32>,
      %mul3A_60 = arith.mulf %gather3A, %get3A_59 : vector<16xf32>
      %get3A_61 = arith.constant 16 : index
      %get3A_62 = tpu.vector_load %arg9[%get3A_61] {strides = array<i32>} : memref<64xi32, #tpu.memory_space<vmem>>, vector<16xi32>,
      %add3A_63 = arith.addi %mul3A_55, %get3A_62 : vector<16xi32>
      %gather3A_64 = tpu.vector_load_idx %arg6[%add3A_63] : memref<81920xf32, #tpu.memory_space<vmem>>[vector<16xi32>], vector<16xf32>,
      %get3A_65 = arith.constant 16 : index
      %get3A_66 = tpu.vector_load %arg8[%get3A_65] {strides = array<i32>} : memref<64xf32, #tpu.memory_space<vmem>>, vector<16xf32>,
      %mul3A_67 = arith.mulf %gather3A_64, %get3A_66 : vector<16xf32>
      %add3A_68 = arith.addf %mul3A_60, %mul3A_67 : vector<16xf32>
      %get3A_69 = arith.constant 32 : index
      %get3A_70 = tpu.vector_load %arg9[%get3A_69] {strides = array<i32>} : memref<64xi32, #tpu.memory_space<vmem>>, vector<16xi32>,
      %add3A_71 = arith.addi %mul3A_55, %get3A_70 : vector<16xi32>
      %gather3A_72 = tpu.vector_load_idx %arg6[%add3A_71] : memref<81920xf32, #tpu.memory_space<vmem>>[vector<16xi32>], vector<16xf32>,
      %get3A_73 = arith.constant 32 : index
      %get3A_74 = tpu.vector_load %arg8[%get3A_73] {strides = array<i32>} : memref<64xf32, #tpu.memory_space<vmem>>, vector<16xf32>,
      %mul3A_75 = arith.mulf %gather3A_72, %get3A_74 : vector<16xf32>
      %add3A_76 = arith.addf %add3A_68, %mul3A_75 : vector<16xf32>
      %get3A_77 = arith.constant 48 : index
      %get3A_78 = tpu.vector_load %arg9[%get3A_77] {strides = array<i32>} : memref<64xi32, #tpu.memory_space<vmem>>, vector<16xi32>,
      %add3A_79 = arith.addi %mul3A_55, %get3A_78 : vector<16xi32>
      %gather3A_80 = tpu.vector_load_idx %arg6[%add3A_79] : memref<81920xf32, #tpu.memory_space<vmem>>[vector<16xi32>], vector<16xf32>,
      %get3A_81 = arith.constant 48 : index
      %get3A_82 = tpu.vector_load %arg8[%get3A_81] {strides = array<i32>} : memref<64xf32, #tpu.memory_space<vmem>>, vector<16xf32>,
      %mul3A_83 = arith.mulf %gather3A_80, %get3A_82 : vector<16xf32>
      %add3A_84 = arith.addf %add3A_76, %mul3A_83 : vector<16xf32>
      %mul3A_85 = arith.constant 16 : i32
      %mul3A_86 = arith.muli %scan3A_48, %mul3A_85 : i32
      %swap3A = arith.index_cast %mul3A_86 : i32 to index
      %swap3A_87 = tpu.vector_load %arg7[%swap3A] {strides = array<i32>} : memref<8192xf32, #tpu.memory_space<vmem>>, vector<16xf32>,
      tpu.vector_store %arg7[%swap3A], %add3A_84 {strides = array<i32>} : memref<8192xf32, #tpu.memory_space<vmem>>, vector<16xf32>,
    }
    %scan3A_23 = arith.constant 512 : i32
    "tpu.region"() ({
      %run_scoped3A = tpu.sem_alloc : memref<!tpu.dma_semaphore, #tpu.memory_space<semaphore_mem>>
      %dma_start3A = tpu.memref_slice %arg5[%add3A_15] : memref<1048576xf32, #tpu.memory_space<hbm>> -> memref<8192xf32, #tpu.memory_space<hbm>>
      %dma_start3A_48 = tpu.memref_slice %arg5[%add3A_15] : memref<1048576xf32, #tpu.memory_space<hbm>> -> memref<8192xf32, #tpu.memory_space<hbm>>
      tpu.enqueue_dma source(%arg7 : memref<8192xf32, #tpu.memory_space<vmem>>) target(%dma_start3A_48 : memref<8192xf32, #tpu.memory_space<hbm>>) target_semaphore(%run_scoped3A : memref<!tpu.dma_semaphore, #tpu.memory_space<semaphore_mem>>)
      %dma_wait3A = tpu.memref_slice %arg5[%add3A_15] : memref<1048576xf32, #tpu.memory_space<hbm>> -> memref<8192xf32, #tpu.memory_space<hbm>>
      %dma_wait3A_49 = tpu.memref_slice %arg5[%add3A_15] : memref<1048576xf32, #tpu.memory_space<hbm>> -> memref<8192xf32, #tpu.memory_space<hbm>>
      tpu.wait_dma2 semaphore(%run_scoped3A : memref<!tpu.dma_semaphore, #tpu.memory_space<semaphore_mem>>) src(%arg7 : memref<8192xf32, #tpu.memory_space<vmem>>) dst(%dma_wait3A_49 : memref<8192xf32, #tpu.memory_space<hbm>>)
      tpu.yield
    }) : () -> ()
    %mul3A_24 = arith.constant 32768 : i32
    %mul3A_25 = arith.muli %add3A, %mul3A_24 : i32
    %add3A_26 = arith.constant 16384 : i32
    %add3A_27 = arith.addi %mul3A_25, %add3A_26 : i32
    %mul3A_28 = arith.constant 10 : i32
    %mul3A_29 = arith.muli %add3A_27, %mul3A_28 : i32
    "tpu.region"() ({
      %run_scoped3A = tpu.sem_alloc : memref<!tpu.dma_semaphore, #tpu.memory_space<semaphore_mem>>
      %dma_start3A = tpu.memref_slice %arg2[%mul3A_29] : memref<10485760xf32, #tpu.memory_space<hbm>> -> memref<81920xf32, #tpu.memory_space<hbm>>
      %dma_start3A_48 = tpu.memref_slice %arg2[%mul3A_29] : memref<10485760xf32, #tpu.memory_space<hbm>> -> memref<81920xf32, #tpu.memory_space<hbm>>
      tpu.enqueue_dma source(%dma_start3A_48 : memref<81920xf32, #tpu.memory_space<hbm>>) target(%arg6 : memref<81920xf32, #tpu.memory_space<vmem>>) target_semaphore(%run_scoped3A : memref<!tpu.dma_semaphore, #tpu.memory_space<semaphore_mem>>)
      %dma_wait3A = tpu.memref_slice %arg2[%mul3A_29] : memref<10485760xf32, #tpu.memory_space<hbm>> -> memref<81920xf32, #tpu.memory_space<hbm>>
      %dma_wait3A_49 = tpu.memref_slice %arg2[%mul3A_29] : memref<10485760xf32, #tpu.memory_space<hbm>> -> memref<81920xf32, #tpu.memory_space<hbm>>
      tpu.wait_dma2 semaphore(%run_scoped3A : memref<!tpu.dma_semaphore, #tpu.memory_space<semaphore_mem>>) src(%dma_wait3A_49 : memref<81920xf32, #tpu.memory_space<hbm>>) dst(%arg6 : memref<81920xf32, #tpu.memory_space<vmem>>)
      tpu.yield
    }) : () -> ()
    %scan3A_30 = arith.constant 0 : i32
    %scan3A_31 = arith.constant 0 : i32
    %scan3A_32 = arith.constant 512 : i32
    %scan3A_33 = arith.addi %scan3A_31, %scan3A_32 : i32
    %scan3A_34 = arith.constant 1 : i32
    scf.for %scan3A_48 = %scan3A_31 to %scan3A_33 step %scan3A_34  : i32 {
      %mul3A_49 = arith.constant 16 : i32
      %mul3A_50 = arith.muli %scan3A_48, %mul3A_49 : i32
      %iota3A = tpu.iota {dimensions = array<i32: 0>} : vector<16xi32>
      %add3A_51 = vector.broadcast %mul3A_50 : i32 to vector<16xi32>
      %add3A_52 = arith.addi %add3A_51, %iota3A : vector<16xi32>
      %mul3A_53 = arith.constant 10 : i32
      %mul3A_54 = vector.broadcast %mul3A_53 : i32 to vector<16xi32>
      %mul3A_55 = arith.muli %add3A_52, %mul3A_54 : vector<16xi32>
      %get3A = arith.constant 0 : index
      %get3A_56 = tpu.vector_load %arg9[%get3A] {strides = array<i32>} : memref<64xi32, #tpu.memory_space<vmem>>, vector<16xi32>,
      %add3A_57 = arith.addi %mul3A_55, %get3A_56 : vector<16xi32>
      %gather3A = tpu.vector_load_idx %arg6[%add3A_57] : memref<81920xf32, #tpu.memory_space<vmem>>[vector<16xi32>], vector<16xf32>,
      %get3A_58 = arith.constant 0 : index
      %get3A_59 = tpu.vector_load %arg8[%get3A_58] {strides = array<i32>} : memref<64xf32, #tpu.memory_space<vmem>>, vector<16xf32>,
      %mul3A_60 = arith.mulf %gather3A, %get3A_59 : vector<16xf32>
      %get3A_61 = arith.constant 16 : index
      %get3A_62 = tpu.vector_load %arg9[%get3A_61] {strides = array<i32>} : memref<64xi32, #tpu.memory_space<vmem>>, vector<16xi32>,
      %add3A_63 = arith.addi %mul3A_55, %get3A_62 : vector<16xi32>
      %gather3A_64 = tpu.vector_load_idx %arg6[%add3A_63] : memref<81920xf32, #tpu.memory_space<vmem>>[vector<16xi32>], vector<16xf32>,
      %get3A_65 = arith.constant 16 : index
      %get3A_66 = tpu.vector_load %arg8[%get3A_65] {strides = array<i32>} : memref<64xf32, #tpu.memory_space<vmem>>, vector<16xf32>,
      %mul3A_67 = arith.mulf %gather3A_64, %get3A_66 : vector<16xf32>
      %add3A_68 = arith.addf %mul3A_60, %mul3A_67 : vector<16xf32>
      %get3A_69 = arith.constant 32 : index
      %get3A_70 = tpu.vector_load %arg9[%get3A_69] {strides = array<i32>} : memref<64xi32, #tpu.memory_space<vmem>>, vector<16xi32>,
      %add3A_71 = arith.addi %mul3A_55, %get3A_70 : vector<16xi32>
      %gather3A_72 = tpu.vector_load_idx %arg6[%add3A_71] : memref<81920xf32, #tpu.memory_space<vmem>>[vector<16xi32>], vector<16xf32>,
      %get3A_73 = arith.constant 32 : index
      %get3A_74 = tpu.vector_load %arg8[%get3A_73] {strides = array<i32>} : memref<64xf32, #tpu.memory_space<vmem>>, vector<16xf32>,
      %mul3A_75 = arith.mulf %gather3A_72, %get3A_74 : vector<16xf32>
      %add3A_76 = arith.addf %add3A_68, %mul3A_75 : vector<16xf32>
      %get3A_77 = arith.constant 48 : index
      %get3A_78 = tpu.vector_load %arg9[%get3A_77] {strides = array<i32>} : memref<64xi32, #tpu.memory_space<vmem>>, vector<16xi32>,
      %add3A_79 = arith.addi %mul3A_55, %get3A_78 : vector<16xi32>
      %gather3A_80 = tpu.vector_load_idx %arg6[%add3A_79] : memref<81920xf32, #tpu.memory_space<vmem>>[vector<16xi32>], vector<16xf32>,
      %get3A_81 = arith.constant 48 : index
      %get3A_82 = tpu.vector_load %arg8[%get3A_81] {strides = array<i32>} : memref<64xf32, #tpu.memory_space<vmem>>, vector<16xf32>,
      %mul3A_83 = arith.mulf %gather3A_80, %get3A_82 : vector<16xf32>
      %add3A_84 = arith.addf %add3A_76, %mul3A_83 : vector<16xf32>
      %mul3A_85 = arith.constant 16 : i32
      %mul3A_86 = arith.muli %scan3A_48, %mul3A_85 : i32
      %swap3A = arith.index_cast %mul3A_86 : i32 to index
      %swap3A_87 = tpu.vector_load %arg7[%swap3A] {strides = array<i32>} : memref<8192xf32, #tpu.memory_space<vmem>>, vector<16xf32>,
      tpu.vector_store %arg7[%swap3A], %add3A_84 {strides = array<i32>} : memref<8192xf32, #tpu.memory_space<vmem>>, vector<16xf32>,
    }
    %scan3A_35 = arith.constant 512 : i32
    "tpu.region"() ({
      %run_scoped3A = tpu.sem_alloc : memref<!tpu.dma_semaphore, #tpu.memory_space<semaphore_mem>>
      %dma_start3A = tpu.memref_slice %arg5[%add3A_27] : memref<1048576xf32, #tpu.memory_space<hbm>> -> memref<8192xf32, #tpu.memory_space<hbm>>
      %dma_start3A_48 = tpu.memref_slice %arg5[%add3A_27] : memref<1048576xf32, #tpu.memory_space<hbm>> -> memref<8192xf32, #tpu.memory_space<hbm>>
      tpu.enqueue_dma source(%arg7 : memref<8192xf32, #tpu.memory_space<vmem>>) target(%dma_start3A_48 : memref<8192xf32, #tpu.memory_space<hbm>>) target_semaphore(%run_scoped3A : memref<!tpu.dma_semaphore, #tpu.memory_space<semaphore_mem>>)
      %dma_wait3A = tpu.memref_slice %arg5[%add3A_27] : memref<1048576xf32, #tpu.memory_space<hbm>> -> memref<8192xf32, #tpu.memory_space<hbm>>
      %dma_wait3A_49 = tpu.memref_slice %arg5[%add3A_27] : memref<1048576xf32, #tpu.memory_space<hbm>> -> memref<8192xf32, #tpu.memory_space<hbm>>
      tpu.wait_dma2 semaphore(%run_scoped3A : memref<!tpu.dma_semaphore, #tpu.memory_space<semaphore_mem>>) src(%arg7 : memref<8192xf32, #tpu.memory_space<vmem>>) dst(%dma_wait3A_49 : memref<8192xf32, #tpu.memory_space<hbm>>)
      tpu.yield
    }) : () -> ()
    %mul3A_36 = arith.constant 32768 : i32
    %mul3A_37 = arith.muli %add3A, %mul3A_36 : i32
    %add3A_38 = arith.constant 24576 : i32
    %add3A_39 = arith.addi %mul3A_37, %add3A_38 : i32
    %mul3A_40 = arith.constant 10 : i32
    %mul3A_41 = arith.muli %add3A_39, %mul3A_40 : i32
    "tpu.region"() ({
      %run_scoped3A = tpu.sem_alloc : memref<!tpu.dma_semaphore, #tpu.memory_space<semaphore_mem>>
      %dma_start3A = tpu.memref_slice %arg2[%mul3A_41] : memref<10485760xf32, #tpu.memory_space<hbm>> -> memref<81920xf32, #tpu.memory_space<hbm>>
      %dma_start3A_48 = tpu.memref_slice %arg2[%mul3A_41] : memref<10485760xf32, #tpu.memory_space<hbm>> -> memref<81920xf32, #tpu.memory_space<hbm>>
      tpu.enqueue_dma source(%dma_start3A_48 : memref<81920xf32, #tpu.memory_space<hbm>>) target(%arg6 : memref<81920xf32, #tpu.memory_space<vmem>>) target_semaphore(%run_scoped3A : memref<!tpu.dma_semaphore, #tpu.memory_space<semaphore_mem>>)
      %dma_wait3A = tpu.memref_slice %arg2[%mul3A_41] : memref<10485760xf32, #tpu.memory_space<hbm>> -> memref<81920xf32, #tpu.memory_space<hbm>>
      %dma_wait3A_49 = tpu.memref_slice %arg2[%mul3A_41] : memref<10485760xf32, #tpu.memory_space<hbm>> -> memref<81920xf32, #tpu.memory_space<hbm>>
      tpu.wait_dma2 semaphore(%run_scoped3A : memref<!tpu.dma_semaphore, #tpu.memory_space<semaphore_mem>>) src(%dma_wait3A_49 : memref<81920xf32, #tpu.memory_space<hbm>>) dst(%arg6 : memref<81920xf32, #tpu.memory_space<vmem>>)
      tpu.yield
    }) : () -> ()
    %scan3A_42 = arith.constant 0 : i32
    %scan3A_43 = arith.constant 0 : i32
    %scan3A_44 = arith.constant 512 : i32
    %scan3A_45 = arith.addi %scan3A_43, %scan3A_44 : i32
    %scan3A_46 = arith.constant 1 : i32
    scf.for %scan3A_48 = %scan3A_43 to %scan3A_45 step %scan3A_46  : i32 {
      %mul3A_49 = arith.constant 16 : i32
      %mul3A_50 = arith.muli %scan3A_48, %mul3A_49 : i32
      %iota3A = tpu.iota {dimensions = array<i32: 0>} : vector<16xi32>
      %add3A_51 = vector.broadcast %mul3A_50 : i32 to vector<16xi32>
      %add3A_52 = arith.addi %add3A_51, %iota3A : vector<16xi32>
      %mul3A_53 = arith.constant 10 : i32
      %mul3A_54 = vector.broadcast %mul3A_53 : i32 to vector<16xi32>
      %mul3A_55 = arith.muli %add3A_52, %mul3A_54 : vector<16xi32>
      %get3A = arith.constant 0 : index
      %get3A_56 = tpu.vector_load %arg9[%get3A] {strides = array<i32>} : memref<64xi32, #tpu.memory_space<vmem>>, vector<16xi32>,
      %add3A_57 = arith.addi %mul3A_55, %get3A_56 : vector<16xi32>
      %gather3A = tpu.vector_load_idx %arg6[%add3A_57] : memref<81920xf32, #tpu.memory_space<vmem>>[vector<16xi32>], vector<16xf32>,
      %get3A_58 = arith.constant 0 : index
      %get3A_59 = tpu.vector_load %arg8[%get3A_58] {strides = array<i32>} : memref<64xf32, #tpu.memory_space<vmem>>, vector<16xf32>,
      %mul3A_60 = arith.mulf %gather3A, %get3A_59 : vector<16xf32>
      %get3A_61 = arith.constant 16 : index
      %get3A_62 = tpu.vector_load %arg9[%get3A_61] {strides = array<i32>} : memref<64xi32, #tpu.memory_space<vmem>>, vector<16xi32>,
      %add3A_63 = arith.addi %mul3A_55, %get3A_62 : vector<16xi32>
      %gather3A_64 = tpu.vector_load_idx %arg6[%add3A_63] : memref<81920xf32, #tpu.memory_space<vmem>>[vector<16xi32>], vector<16xf32>,
      %get3A_65 = arith.constant 16 : index
      %get3A_66 = tpu.vector_load %arg8[%get3A_65] {strides = array<i32>} : memref<64xf32, #tpu.memory_space<vmem>>, vector<16xf32>,
      %mul3A_67 = arith.mulf %gather3A_64, %get3A_66 : vector<16xf32>
      %add3A_68 = arith.addf %mul3A_60, %mul3A_67 : vector<16xf32>
      %get3A_69 = arith.constant 32 : index
      %get3A_70 = tpu.vector_load %arg9[%get3A_69] {strides = array<i32>} : memref<64xi32, #tpu.memory_space<vmem>>, vector<16xi32>,
      %add3A_71 = arith.addi %mul3A_55, %get3A_70 : vector<16xi32>
      %gather3A_72 = tpu.vector_load_idx %arg6[%add3A_71] : memref<81920xf32, #tpu.memory_space<vmem>>[vector<16xi32>], vector<16xf32>,
      %get3A_73 = arith.constant 32 : index
      %get3A_74 = tpu.vector_load %arg8[%get3A_73] {strides = array<i32>} : memref<64xf32, #tpu.memory_space<vmem>>, vector<16xf32>,
      %mul3A_75 = arith.mulf %gather3A_72, %get3A_74 : vector<16xf32>
      %add3A_76 = arith.addf %add3A_68, %mul3A_75 : vector<16xf32>
      %get3A_77 = arith.constant 48 : index
      %get3A_78 = tpu.vector_load %arg9[%get3A_77] {strides = array<i32>} : memref<64xi32, #tpu.memory_space<vmem>>, vector<16xi32>,
      %add3A_79 = arith.addi %mul3A_55, %get3A_78 : vector<16xi32>
      %gather3A_80 = tpu.vector_load_idx %arg6[%add3A_79] : memref<81920xf32, #tpu.memory_space<vmem>>[vector<16xi32>], vector<16xf32>,
      %get3A_81 = arith.constant 48 : index
      %get3A_82 = tpu.vector_load %arg8[%get3A_81] {strides = array<i32>} : memref<64xf32, #tpu.memory_space<vmem>>, vector<16xf32>,
      %mul3A_83 = arith.mulf %gather3A_80, %get3A_82 : vector<16xf32>
      %add3A_84 = arith.addf %add3A_76, %mul3A_83 : vector<16xf32>
      %mul3A_85 = arith.constant 16 : i32
      %mul3A_86 = arith.muli %scan3A_48, %mul3A_85 : i32
      %swap3A = arith.index_cast %mul3A_86 : i32 to index
      %swap3A_87 = tpu.vector_load %arg7[%swap3A] {strides = array<i32>} : memref<8192xf32, #tpu.memory_space<vmem>>, vector<16xf32>,
      tpu.vector_store %arg7[%swap3A], %add3A_84 {strides = array<i32>} : memref<8192xf32, #tpu.memory_space<vmem>>, vector<16xf32>,
    }
    %scan3A_47 = arith.constant 512 : i32
    "tpu.region"() ({
      %run_scoped3A = tpu.sem_alloc : memref<!tpu.dma_semaphore, #tpu.memory_space<semaphore_mem>>
      %dma_start3A = tpu.memref_slice %arg5[%add3A_39] : memref<1048576xf32, #tpu.memory_space<hbm>> -> memref<8192xf32, #tpu.memory_space<hbm>>
      %dma_start3A_48 = tpu.memref_slice %arg5[%add3A_39] : memref<1048576xf32, #tpu.memory_space<hbm>> -> memref<8192xf32, #tpu.memory_space<hbm>>
      tpu.enqueue_dma source(%arg7 : memref<8192xf32, #tpu.memory_space<vmem>>) target(%dma_start3A_48 : memref<8192xf32, #tpu.memory_space<hbm>>) target_semaphore(%run_scoped3A : memref<!tpu.dma_semaphore, #tpu.memory_space<semaphore_mem>>)
      %dma_wait3A = tpu.memref_slice %arg5[%add3A_39] : memref<1048576xf32, #tpu.memory_space<hbm>> -> memref<8192xf32, #tpu.memory_space<hbm>>
      %dma_wait3A_49 = tpu.memref_slice %arg5[%add3A_39] : memref<1048576xf32, #tpu.memory_space<hbm>> -> memref<8192xf32, #tpu.memory_space<hbm>>
      tpu.wait_dma2 semaphore(%run_scoped3A : memref<!tpu.dma_semaphore, #tpu.memory_space<semaphore_mem>>) src(%arg7 : memref<8192xf32, #tpu.memory_space<vmem>>) dst(%dma_wait3A_49 : memref<8192xf32, #tpu.memory_space<hbm>>)
      tpu.yield
    }) : () -> ()
    return
  }
}

module attributes {stable_mosaic.version = 14 : i64} {
  func.func @_stage1_body(%arg0: i32, %arg1: memref<8192x10xf32, #tpu.memory_space<vmem>>, %arg2: memref<1x128xf32, #tpu.memory_space<vmem>>, %arg3: memref<10x10xf32, #tpu.memory_space<vmem>>, %arg4: memref<1x10xf32, #tpu.memory_space<vmem>>) attributes {dimension_semantics = [#tpu.dimension_semantics<arbitrary>], iteration_bounds = array<i64: 128>, scalar_prefetch = 0 : i64, scratch_operands = 2 : i64, tpu.core_type = #tpu.core_type<tc>, window_params = [{transform_indices = @transform_0, window_bounds = array<i64: 8192, 10>}, {pipeline_mode = #tpu.pipeline_mode<synchronous>, transform_indices = @transform_1, window_bounds = array<i64: 1, 128>}]} {
    %get3A = arith.constant 0 : index
    %get3A_0 = arith.constant 0 : index
    %get3A_1 = vector.load %arg1[%get3A, %get3A_0] : memref<8192x10xf32, #tpu.memory_space<vmem>>, vector<8192x10xf32>
    %convert_element_type3A = arith.truncf %get3A_1 : vector<8192x10xf32> to vector<8192x10xbf16>
    %dot_general3A = arith.constant dense<0.000000e+00> : vector<10x10xf32>
    %dot_general3A_2 = tpu.matmul %convert_element_type3A, %convert_element_type3A, %dot_general3A {dimension_numbers = #tpu.dot_dimension_numbers<[0], [0], [1], [1], [0, 1, 1, 1], [], []>, transpose_lhs_hint = false} : vector<8192x10xbf16>, vector<8192x10xbf16>, vector<10x10xf32> -> vector<10x10xf32>
    %mul3A = arith.mulf %get3A_1, %get3A_1 : vector<8192x10xf32>
    %reduce_sum3A = arith.constant dense<0.000000e+00> : vector<10xf32>
    %reduce_sum3A_3 = vector.multi_reduction <add>, %mul3A, %reduce_sum3A [0] : vector<8192x10xf32> to vector<10xf32>
    %broadcast_in_dim3A = vector.shape_cast %reduce_sum3A_3 : vector<10xf32> to vector<1x10xf32>
    %eq3A = arith.constant 0 : i32
    %eq3A_4 = arith.cmpi eq, %arg0, %eq3A : i32
    %convert_element_type3A_5 = arith.extui %eq3A_4 : i1 to i32
    %cond3A = arith.constant 0 : i32
    %cond3A_6 = arith.cmpi ne, %convert_element_type3A_5, %cond3A : i32
    scf.if %cond3A_6 {
      %swap3A = arith.constant 0 : index
      %swap3A_16 = arith.constant 0 : index
      %swap3A_17 = vector.load %arg3[%swap3A, %swap3A_16] : memref<10x10xf32, #tpu.memory_space<vmem>>, vector<10x10xf32>
      tpu.vector_store %arg3[%swap3A, %swap3A_16], %dot_general3A_2 {strides = array<i32>} : memref<10x10xf32, #tpu.memory_space<vmem>>, vector<10x10xf32>,
      %swap3A_18 = arith.constant 0 : index
      %swap3A_19 = arith.constant 0 : index
      %swap3A_20 = vector.load %arg4[%swap3A_18, %swap3A_19] : memref<1x10xf32, #tpu.memory_space<vmem>>, vector<1x10xf32>
      tpu.vector_store %arg4[%swap3A_18, %swap3A_19], %broadcast_in_dim3A {strides = array<i32>} : memref<1x10xf32, #tpu.memory_space<vmem>>, vector<1x10xf32>,
    } else {
    }
    %gt3A = arith.constant 0 : i32
    %gt3A_7 = arith.cmpi sgt, %arg0, %gt3A : i32
    %convert_element_type3A_8 = arith.extui %gt3A_7 : i1 to i32
    %cond3A_9 = arith.constant 0 : i32
    %cond3A_10 = arith.cmpi ne, %convert_element_type3A_8, %cond3A_9 : i32
    scf.if %cond3A_10 {
      %get3A_16 = arith.constant 0 : index
      %get3A_17 = arith.constant 0 : index
      %get3A_18 = vector.load %arg3[%get3A_16, %get3A_17] : memref<10x10xf32, #tpu.memory_space<vmem>>, vector<10x10xf32>
      %add3A = arith.addf %get3A_18, %dot_general3A_2 : vector<10x10xf32>
      %swap3A = arith.constant 0 : index
      %swap3A_19 = arith.constant 0 : index
      %swap3A_20 = vector.load %arg3[%swap3A, %swap3A_19] : memref<10x10xf32, #tpu.memory_space<vmem>>, vector<10x10xf32>
      tpu.vector_store %arg3[%swap3A, %swap3A_19], %add3A {strides = array<i32>} : memref<10x10xf32, #tpu.memory_space<vmem>>, vector<10x10xf32>,
      %get3A_21 = arith.constant 0 : index
      %get3A_22 = arith.constant 0 : index
      %get3A_23 = vector.load %arg4[%get3A_21, %get3A_22] : memref<1x10xf32, #tpu.memory_space<vmem>>, vector<1x10xf32>
      %add3A_24 = arith.addf %get3A_23, %broadcast_in_dim3A : vector<1x10xf32>
      %swap3A_25 = arith.constant 0 : index
      %swap3A_26 = arith.constant 0 : index
      %swap3A_27 = vector.load %arg4[%swap3A_25, %swap3A_26] : memref<1x10xf32, #tpu.memory_space<vmem>>, vector<1x10xf32>
      tpu.vector_store %arg4[%swap3A_25, %swap3A_26], %add3A_24 {strides = array<i32>} : memref<1x10xf32, #tpu.memory_space<vmem>>, vector<1x10xf32>,
    } else {
    }
    %eq3A_11 = arith.constant 127 : i32
    %eq3A_12 = arith.cmpi eq, %arg0, %eq3A_11 : i32
    %convert_element_type3A_13 = arith.extui %eq3A_12 : i1 to i32
    %cond3A_14 = arith.constant 0 : i32
    %cond3A_15 = arith.cmpi ne, %convert_element_type3A_13, %cond3A_14 : i32
    scf.if %cond3A_15 {
      %get3A_16 = arith.constant 0 : index
      %get3A_17 = arith.constant 0 : index
      %get3A_18 = vector.load %arg3[%get3A_16, %get3A_17] : memref<10x10xf32, #tpu.memory_space<vmem>>, vector<10x10xf32>
      %get3A_19 = arith.constant 0 : index
      %get3A_20 = arith.constant 0 : index
      %get3A_21 = vector.load %arg4[%get3A_19, %get3A_20] : memref<1x10xf32, #tpu.memory_space<vmem>>, vector<1x10xf32>
      %iota3A = tpu.iota {dimensions = array<i32: 1>} : vector<1x10xi32>
      %iota3A_22 = tpu.iota {dimensions = array<i32: 1>} : vector<10x10xi32>
      %iota3A_23 = tpu.iota {dimensions = array<i32: 0>} : vector<10x10xi32>
      %iota3A_24 = tpu.iota {dimensions = array<i32: 0>} : vector<10x1xi32>
      %broadcast_in_dim3A_25 = arith.constant 0.000000e+00 : f32
      %broadcast_in_dim3A_26 = vector.broadcast %broadcast_in_dim3A_25 : f32 to vector<10x10xf32>
      %eq3A_27 = arith.constant 0 : i32
      %eq3A_28 = vector.broadcast %eq3A_27 : i32 to vector<1x10xi32>
      %eq3A_29 = arith.cmpi eq, %iota3A, %eq3A_28 : vector<1x10xi32>
      %jit3A = arith.constant 0.000000e+00 : f32
      %broadcast_in_dim3A_30 = vector.broadcast %jit3A : f32 to vector<1x10xf32>
      %select_n3A = arith.select %eq3A_29, %get3A_21, %broadcast_in_dim3A_30 : vector<1x10xi1>, vector<1x10xf32>
      %reduce_sum3A_31 = vector.shape_cast %select_n3A : vector<1x10xf32> to vector<1x1x10xf32>
      %reduce_sum3A_32 = arith.constant dense<0.000000e+00> : vector<1xf32>
      %reduce_sum3A_33 = vector.multi_reduction <add>, %reduce_sum3A_31, %reduce_sum3A_32 [1, 2] : vector<1x1x10xf32> to vector<1xf32>
      %reduce_sum3A_34 = vector.shape_cast %reduce_sum3A_33 : vector<1xf32> to vector<1x1x1xf32>
      %reduce_sum3A_35 = vector.extract %reduce_sum3A_34[0, 0, 0] : f32 from vector<1x1x1xf32>
      %eq3A_36 = arith.constant 0 : i32
      %eq3A_37 = vector.broadcast %eq3A_36 : i32 to vector<10x10xi32>
      %eq3A_38 = arith.cmpi eq, %iota3A_23, %eq3A_37 : vector<10x10xi32>
      %jit3A_39 = arith.constant 0.000000e+00 : f32
      %broadcast_in_dim3A_40 = vector.broadcast %reduce_sum3A_35 : f32 to vector<10x10xf32>
      %broadcast_in_dim3A_41 = vector.broadcast %jit3A_39 : f32 to vector<10x10xf32>
      %select_n3A_42 = arith.select %eq3A_38, %broadcast_in_dim3A_40, %broadcast_in_dim3A_41 : vector<10x10xi1>, vector<10x10xf32>
      %add3A = arith.addf %broadcast_in_dim3A_26, %select_n3A_42 : vector<10x10xf32>
      %eq3A_43 = arith.constant 1 : i32
      %eq3A_44 = vector.broadcast %eq3A_43 : i32 to vector<1x10xi32>
      %eq3A_45 = arith.cmpi eq, %iota3A, %eq3A_44 : vector<1x10xi32>
      %jit3A_46 = arith.constant 0.000000e+00 : f32
      %broadcast_in_dim3A_47 = vector.broadcast %jit3A_46 : f32 to vector<1x10xf32>
      %select_n3A_48 = arith.select %eq3A_45, %get3A_21, %broadcast_in_dim3A_47 : vector<1x10xi1>, vector<1x10xf32>
      %reduce_sum3A_49 = vector.shape_cast %select_n3A_48 : vector<1x10xf32> to vector<1x1x10xf32>
      %reduce_sum3A_50 = arith.constant dense<0.000000e+00> : vector<1xf32>
      %reduce_sum3A_51 = vector.multi_reduction <add>, %reduce_sum3A_49, %reduce_sum3A_50 [1, 2] : vector<1x1x10xf32> to vector<1xf32>
      %reduce_sum3A_52 = vector.shape_cast %reduce_sum3A_51 : vector<1xf32> to vector<1x1x1xf32>
      %reduce_sum3A_53 = vector.extract %reduce_sum3A_52[0, 0, 0] : f32 from vector<1x1x1xf32>
      %eq3A_54 = arith.constant 1 : i32
      %eq3A_55 = vector.broadcast %eq3A_54 : i32 to vector<10x10xi32>
      %eq3A_56 = arith.cmpi eq, %iota3A_23, %eq3A_55 : vector<10x10xi32>
      %jit3A_57 = arith.constant 0.000000e+00 : f32
      %broadcast_in_dim3A_58 = vector.broadcast %reduce_sum3A_53 : f32 to vector<10x10xf32>
      %broadcast_in_dim3A_59 = vector.broadcast %jit3A_57 : f32 to vector<10x10xf32>
      %select_n3A_60 = arith.select %eq3A_56, %broadcast_in_dim3A_58, %broadcast_in_dim3A_59 : vector<10x10xi1>, vector<10x10xf32>
      %add3A_61 = arith.addf %add3A, %select_n3A_60 : vector<10x10xf32>
      %eq3A_62 = arith.constant 2 : i32
      %eq3A_63 = vector.broadcast %eq3A_62 : i32 to vector<1x10xi32>
      %eq3A_64 = arith.cmpi eq, %iota3A, %eq3A_63 : vector<1x10xi32>
      %jit3A_65 = arith.constant 0.000000e+00 : f32
      %broadcast_in_dim3A_66 = vector.broadcast %jit3A_65 : f32 to vector<1x10xf32>
      %select_n3A_67 = arith.select %eq3A_64, %get3A_21, %broadcast_in_dim3A_66 : vector<1x10xi1>, vector<1x10xf32>
      %reduce_sum3A_68 = vector.shape_cast %select_n3A_67 : vector<1x10xf32> to vector<1x1x10xf32>
      %reduce_sum3A_69 = arith.constant dense<0.000000e+00> : vector<1xf32>
      %reduce_sum3A_70 = vector.multi_reduction <add>, %reduce_sum3A_68, %reduce_sum3A_69 [1, 2] : vector<1x1x10xf32> to vector<1xf32>
      %reduce_sum3A_71 = vector.shape_cast %reduce_sum3A_70 : vector<1xf32> to vector<1x1x1xf32>
      %reduce_sum3A_72 = vector.extract %reduce_sum3A_71[0, 0, 0] : f32 from vector<1x1x1xf32>
      %eq3A_73 = arith.constant 2 : i32
      %eq3A_74 = vector.broadcast %eq3A_73 : i32 to vector<10x10xi32>
      %eq3A_75 = arith.cmpi eq, %iota3A_23, %eq3A_74 : vector<10x10xi32>
      %jit3A_76 = arith.constant 0.000000e+00 : f32
      %broadcast_in_dim3A_77 = vector.broadcast %reduce_sum3A_72 : f32 to vector<10x10xf32>
      %broadcast_in_dim3A_78 = vector.broadcast %jit3A_76 : f32 to vector<10x10xf32>
      %select_n3A_79 = arith.select %eq3A_75, %broadcast_in_dim3A_77, %broadcast_in_dim3A_78 : vector<10x10xi1>, vector<10x10xf32>
      %add3A_80 = arith.addf %add3A_61, %select_n3A_79 : vector<10x10xf32>
      %eq3A_81 = arith.constant 3 : i32
      %eq3A_82 = vector.broadcast %eq3A_81 : i32 to vector<1x10xi32>
      %eq3A_83 = arith.cmpi eq, %iota3A, %eq3A_82 : vector<1x10xi32>
      %jit3A_84 = arith.constant 0.000000e+00 : f32
      %broadcast_in_dim3A_85 = vector.broadcast %jit3A_84 : f32 to vector<1x10xf32>
      %select_n3A_86 = arith.select %eq3A_83, %get3A_21, %broadcast_in_dim3A_85 : vector<1x10xi1>, vector<1x10xf32>
      %reduce_sum3A_87 = vector.shape_cast %select_n3A_86 : vector<1x10xf32> to vector<1x1x10xf32>
      %reduce_sum3A_88 = arith.constant dense<0.000000e+00> : vector<1xf32>
      %reduce_sum3A_89 = vector.multi_reduction <add>, %reduce_sum3A_87, %reduce_sum3A_88 [1, 2] : vector<1x1x10xf32> to vector<1xf32>
      %reduce_sum3A_90 = vector.shape_cast %reduce_sum3A_89 : vector<1xf32> to vector<1x1x1xf32>
      %reduce_sum3A_91 = vector.extract %reduce_sum3A_90[0, 0, 0] : f32 from vector<1x1x1xf32>
      %eq3A_92 = arith.constant 3 : i32
      %eq3A_93 = vector.broadcast %eq3A_92 : i32 to vector<10x10xi32>
      %eq3A_94 = arith.cmpi eq, %iota3A_23, %eq3A_93 : vector<10x10xi32>
      %jit3A_95 = arith.constant 0.000000e+00 : f32
      %broadcast_in_dim3A_96 = vector.broadcast %reduce_sum3A_91 : f32 to vector<10x10xf32>
      %broadcast_in_dim3A_97 = vector.broadcast %jit3A_95 : f32 to vector<10x10xf32>
      %select_n3A_98 = arith.select %eq3A_94, %broadcast_in_dim3A_96, %broadcast_in_dim3A_97 : vector<10x10xi1>, vector<10x10xf32>
      %add3A_99 = arith.addf %add3A_80, %select_n3A_98 : vector<10x10xf32>
      %eq3A_100 = arith.constant 4 : i32
      %eq3A_101 = vector.broadcast %eq3A_100 : i32 to vector<1x10xi32>
      %eq3A_102 = arith.cmpi eq, %iota3A, %eq3A_101 : vector<1x10xi32>
      %jit3A_103 = arith.constant 0.000000e+00 : f32
      %broadcast_in_dim3A_104 = vector.broadcast %jit3A_103 : f32 to vector<1x10xf32>
      %select_n3A_105 = arith.select %eq3A_102, %get3A_21, %broadcast_in_dim3A_104 : vector<1x10xi1>, vector<1x10xf32>
      %reduce_sum3A_106 = vector.shape_cast %select_n3A_105 : vector<1x10xf32> to vector<1x1x10xf32>
      %reduce_sum3A_107 = arith.constant dense<0.000000e+00> : vector<1xf32>
      %reduce_sum3A_108 = vector.multi_reduction <add>, %reduce_sum3A_106, %reduce_sum3A_107 [1, 2] : vector<1x1x10xf32> to vector<1xf32>
      %reduce_sum3A_109 = vector.shape_cast %reduce_sum3A_108 : vector<1xf32> to vector<1x1x1xf32>
      %reduce_sum3A_110 = vector.extract %reduce_sum3A_109[0, 0, 0] : f32 from vector<1x1x1xf32>
      %eq3A_111 = arith.constant 4 : i32
      %eq3A_112 = vector.broadcast %eq3A_111 : i32 to vector<10x10xi32>
      %eq3A_113 = arith.cmpi eq, %iota3A_23, %eq3A_112 : vector<10x10xi32>
      %jit3A_114 = arith.constant 0.000000e+00 : f32
      %broadcast_in_dim3A_115 = vector.broadcast %reduce_sum3A_110 : f32 to vector<10x10xf32>
      %broadcast_in_dim3A_116 = vector.broadcast %jit3A_114 : f32 to vector<10x10xf32>
      %select_n3A_117 = arith.select %eq3A_113, %broadcast_in_dim3A_115, %broadcast_in_dim3A_116 : vector<10x10xi1>, vector<10x10xf32>
      %add3A_118 = arith.addf %add3A_99, %select_n3A_117 : vector<10x10xf32>
      %eq3A_119 = arith.constant 5 : i32
      %eq3A_120 = vector.broadcast %eq3A_119 : i32 to vector<1x10xi32>
      %eq3A_121 = arith.cmpi eq, %iota3A, %eq3A_120 : vector<1x10xi32>
      %jit3A_122 = arith.constant 0.000000e+00 : f32
      %broadcast_in_dim3A_123 = vector.broadcast %jit3A_122 : f32 to vector<1x10xf32>
      %select_n3A_124 = arith.select %eq3A_121, %get3A_21, %broadcast_in_dim3A_123 : vector<1x10xi1>, vector<1x10xf32>
      %reduce_sum3A_125 = vector.shape_cast %select_n3A_124 : vector<1x10xf32> to vector<1x1x10xf32>
      %reduce_sum3A_126 = arith.constant dense<0.000000e+00> : vector<1xf32>
      %reduce_sum3A_127 = vector.multi_reduction <add>, %reduce_sum3A_125, %reduce_sum3A_126 [1, 2] : vector<1x1x10xf32> to vector<1xf32>
      %reduce_sum3A_128 = vector.shape_cast %reduce_sum3A_127 : vector<1xf32> to vector<1x1x1xf32>
      %reduce_sum3A_129 = vector.extract %reduce_sum3A_128[0, 0, 0] : f32 from vector<1x1x1xf32>
      %eq3A_130 = arith.constant 5 : i32
      %eq3A_131 = vector.broadcast %eq3A_130 : i32 to vector<10x10xi32>
      %eq3A_132 = arith.cmpi eq, %iota3A_23, %eq3A_131 : vector<10x10xi32>
      %jit3A_133 = arith.constant 0.000000e+00 : f32
      %broadcast_in_dim3A_134 = vector.broadcast %reduce_sum3A_129 : f32 to vector<10x10xf32>
      %broadcast_in_dim3A_135 = vector.broadcast %jit3A_133 : f32 to vector<10x10xf32>
      %select_n3A_136 = arith.select %eq3A_132, %broadcast_in_dim3A_134, %broadcast_in_dim3A_135 : vector<10x10xi1>, vector<10x10xf32>
      %add3A_137 = arith.addf %add3A_118, %select_n3A_136 : vector<10x10xf32>
      %eq3A_138 = arith.constant 6 : i32
      %eq3A_139 = vector.broadcast %eq3A_138 : i32 to vector<1x10xi32>
      %eq3A_140 = arith.cmpi eq, %iota3A, %eq3A_139 : vector<1x10xi32>
      %jit3A_141 = arith.constant 0.000000e+00 : f32
      %broadcast_in_dim3A_142 = vector.broadcast %jit3A_141 : f32 to vector<1x10xf32>
      %select_n3A_143 = arith.select %eq3A_140, %get3A_21, %broadcast_in_dim3A_142 : vector<1x10xi1>, vector<1x10xf32>
      %reduce_sum3A_144 = vector.shape_cast %select_n3A_143 : vector<1x10xf32> to vector<1x1x10xf32>
      %reduce_sum3A_145 = arith.constant dense<0.000000e+00> : vector<1xf32>
      %reduce_sum3A_146 = vector.multi_reduction <add>, %reduce_sum3A_144, %reduce_sum3A_145 [1, 2] : vector<1x1x10xf32> to vector<1xf32>
      %reduce_sum3A_147 = vector.shape_cast %reduce_sum3A_146 : vector<1xf32> to vector<1x1x1xf32>
      %reduce_sum3A_148 = vector.extract %reduce_sum3A_147[0, 0, 0] : f32 from vector<1x1x1xf32>
      %eq3A_149 = arith.constant 6 : i32
      %eq3A_150 = vector.broadcast %eq3A_149 : i32 to vector<10x10xi32>
      %eq3A_151 = arith.cmpi eq, %iota3A_23, %eq3A_150 : vector<10x10xi32>
      %jit3A_152 = arith.constant 0.000000e+00 : f32
      %broadcast_in_dim3A_153 = vector.broadcast %reduce_sum3A_148 : f32 to vector<10x10xf32>
      %broadcast_in_dim3A_154 = vector.broadcast %jit3A_152 : f32 to vector<10x10xf32>
      %select_n3A_155 = arith.select %eq3A_151, %broadcast_in_dim3A_153, %broadcast_in_dim3A_154 : vector<10x10xi1>, vector<10x10xf32>
      %add3A_156 = arith.addf %add3A_137, %select_n3A_155 : vector<10x10xf32>
      %eq3A_157 = arith.constant 7 : i32
      %eq3A_158 = vector.broadcast %eq3A_157 : i32 to vector<1x10xi32>
      %eq3A_159 = arith.cmpi eq, %iota3A, %eq3A_158 : vector<1x10xi32>
      %jit3A_160 = arith.constant 0.000000e+00 : f32
      %broadcast_in_dim3A_161 = vector.broadcast %jit3A_160 : f32 to vector<1x10xf32>
      %select_n3A_162 = arith.select %eq3A_159, %get3A_21, %broadcast_in_dim3A_161 : vector<1x10xi1>, vector<1x10xf32>
      %reduce_sum3A_163 = vector.shape_cast %select_n3A_162 : vector<1x10xf32> to vector<1x1x10xf32>
      %reduce_sum3A_164 = arith.constant dense<0.000000e+00> : vector<1xf32>
      %reduce_sum3A_165 = vector.multi_reduction <add>, %reduce_sum3A_163, %reduce_sum3A_164 [1, 2] : vector<1x1x10xf32> to vector<1xf32>
      %reduce_sum3A_166 = vector.shape_cast %reduce_sum3A_165 : vector<1xf32> to vector<1x1x1xf32>
      %reduce_sum3A_167 = vector.extract %reduce_sum3A_166[0, 0, 0] : f32 from vector<1x1x1xf32>
      %eq3A_168 = arith.constant 7 : i32
      %eq3A_169 = vector.broadcast %eq3A_168 : i32 to vector<10x10xi32>
      %eq3A_170 = arith.cmpi eq, %iota3A_23, %eq3A_169 : vector<10x10xi32>
      %jit3A_171 = arith.constant 0.000000e+00 : f32
      %broadcast_in_dim3A_172 = vector.broadcast %reduce_sum3A_167 : f32 to vector<10x10xf32>
      %broadcast_in_dim3A_173 = vector.broadcast %jit3A_171 : f32 to vector<10x10xf32>
      %select_n3A_174 = arith.select %eq3A_170, %broadcast_in_dim3A_172, %broadcast_in_dim3A_173 : vector<10x10xi1>, vector<10x10xf32>
      %add3A_175 = arith.addf %add3A_156, %select_n3A_174 : vector<10x10xf32>
      %eq3A_176 = arith.constant 8 : i32
      %eq3A_177 = vector.broadcast %eq3A_176 : i32 to vector<1x10xi32>
      %eq3A_178 = arith.cmpi eq, %iota3A, %eq3A_177 : vector<1x10xi32>
      %jit3A_179 = arith.constant 0.000000e+00 : f32
      %broadcast_in_dim3A_180 = vector.broadcast %jit3A_179 : f32 to vector<1x10xf32>
      %select_n3A_181 = arith.select %eq3A_178, %get3A_21, %broadcast_in_dim3A_180 : vector<1x10xi1>, vector<1x10xf32>
      %reduce_sum3A_182 = vector.shape_cast %select_n3A_181 : vector<1x10xf32> to vector<1x1x10xf32>
      %reduce_sum3A_183 = arith.constant dense<0.000000e+00> : vector<1xf32>
      %reduce_sum3A_184 = vector.multi_reduction <add>, %reduce_sum3A_182, %reduce_sum3A_183 [1, 2] : vector<1x1x10xf32> to vector<1xf32>
      %reduce_sum3A_185 = vector.shape_cast %reduce_sum3A_184 : vector<1xf32> to vector<1x1x1xf32>
      %reduce_sum3A_186 = vector.extract %reduce_sum3A_185[0, 0, 0] : f32 from vector<1x1x1xf32>
      %eq3A_187 = arith.constant 8 : i32
      %eq3A_188 = vector.broadcast %eq3A_187 : i32 to vector<10x10xi32>
      %eq3A_189 = arith.cmpi eq, %iota3A_23, %eq3A_188 : vector<10x10xi32>
      %jit3A_190 = arith.constant 0.000000e+00 : f32
      %broadcast_in_dim3A_191 = vector.broadcast %reduce_sum3A_186 : f32 to vector<10x10xf32>
      %broadcast_in_dim3A_192 = vector.broadcast %jit3A_190 : f32 to vector<10x10xf32>
      %select_n3A_193 = arith.select %eq3A_189, %broadcast_in_dim3A_191, %broadcast_in_dim3A_192 : vector<10x10xi1>, vector<10x10xf32>
      %add3A_194 = arith.addf %add3A_175, %select_n3A_193 : vector<10x10xf32>
      %eq3A_195 = arith.constant 9 : i32
      %eq3A_196 = vector.broadcast %eq3A_195 : i32 to vector<1x10xi32>
      %eq3A_197 = arith.cmpi eq, %iota3A, %eq3A_196 : vector<1x10xi32>
      %jit3A_198 = arith.constant 0.000000e+00 : f32
      %broadcast_in_dim3A_199 = vector.broadcast %jit3A_198 : f32 to vector<1x10xf32>
      %select_n3A_200 = arith.select %eq3A_197, %get3A_21, %broadcast_in_dim3A_199 : vector<1x10xi1>, vector<1x10xf32>
      %reduce_sum3A_201 = vector.shape_cast %select_n3A_200 : vector<1x10xf32> to vector<1x1x10xf32>
      %reduce_sum3A_202 = arith.constant dense<0.000000e+00> : vector<1xf32>
      %reduce_sum3A_203 = vector.multi_reduction <add>, %reduce_sum3A_201, %reduce_sum3A_202 [1, 2] : vector<1x1x10xf32> to vector<1xf32>
      %reduce_sum3A_204 = vector.shape_cast %reduce_sum3A_203 : vector<1xf32> to vector<1x1x1xf32>
      %reduce_sum3A_205 = vector.extract %reduce_sum3A_204[0, 0, 0] : f32 from vector<1x1x1xf32>
      %eq3A_206 = arith.constant 9 : i32
      %eq3A_207 = vector.broadcast %eq3A_206 : i32 to vector<10x10xi32>
      %eq3A_208 = arith.cmpi eq, %iota3A_23, %eq3A_207 : vector<10x10xi32>
      %jit3A_209 = arith.constant 0.000000e+00 : f32
      %broadcast_in_dim3A_210 = vector.broadcast %reduce_sum3A_205 : f32 to vector<10x10xf32>
      %broadcast_in_dim3A_211 = vector.broadcast %jit3A_209 : f32 to vector<10x10xf32>
      %select_n3A_212 = arith.select %eq3A_208, %broadcast_in_dim3A_210, %broadcast_in_dim3A_211 : vector<10x10xi1>, vector<10x10xf32>
      %add3A_213 = arith.addf %add3A_194, %select_n3A_212 : vector<10x10xf32>
      %broadcast_in_dim3A_214 = vector.shape_cast %get3A_21 : vector<1x10xf32> to vector<1x10xf32>
      %broadcast_in_dim3A_215 = vector.broadcast %broadcast_in_dim3A_214 : vector<1x10xf32> to vector<10x10xf32>
      %add3A_216 = arith.addf %add3A_213, %broadcast_in_dim3A_215 : vector<10x10xf32>
      %mul3A_217 = arith.constant 2.000000e+00 : f32
      %mul3A_218 = vector.broadcast %mul3A_217 : f32 to vector<10x10xf32>
      %mul3A_219 = arith.mulf %mul3A_218, %get3A_18 : vector<10x10xf32>
      %sub3A = arith.subf %add3A_216, %mul3A_219 : vector<10x10xf32>
      %max3A = arith.constant 9.99999996E-13 : f32
      %max3A_220 = vector.broadcast %max3A : f32 to vector<10x10xf32>
      %max3A_221 = arith.maximumf %sub3A, %max3A_220 : vector<10x10xf32>
      %sqrt3A = math.sqrt %max3A_221 : vector<10x10xf32>
      %ge3A = arith.constant 0 : i32
      %ge3A_222 = vector.broadcast %ge3A : i32 to vector<10x10xi32>
      %ge3A_223 = arith.cmpi sge, %iota3A_22, %ge3A_222 : vector<10x10xi32>
      %jit3A_224 = arith.constant 3.000000e+38 : f32
      %broadcast_in_dim3A_225 = vector.broadcast %jit3A_224 : f32 to vector<10x10xf32>
      %select_n3A_226 = arith.select %ge3A_223, %sqrt3A, %broadcast_in_dim3A_225 : vector<10x10xi1>, vector<10x10xf32>
      %reduce_min3A = arith.constant dense<0x7F800000> : vector<10xf32>
      %reduce_min3A_227 = vector.multi_reduction <minimumf>, %select_n3A_226, %reduce_min3A [1] : vector<10x10xf32> to vector<10xf32>
      %broadcast_in_dim3A_228 = vector.shape_cast %reduce_min3A_227 : vector<10xf32> to vector<10x1xf32>
      %eq3A_229 = vector.broadcast %broadcast_in_dim3A_228 : vector<10x1xf32> to vector<10x10xf32>
      %eq3A_230 = arith.cmpf oeq, %select_n3A_226, %eq3A_229 : vector<10x10xf32>
      %jit3A_231 = arith.constant 999 : i32
      %broadcast_in_dim3A_232 = vector.broadcast %jit3A_231 : i32 to vector<10x10xi32>
      %select_n3A_233 = arith.select %eq3A_230, %iota3A_22, %broadcast_in_dim3A_232 : vector<10x10xi1>, vector<10x10xi32>
      %reduce_min3A_234 = arith.constant dense<2147483647> : vector<10xi32>
      %reduce_min3A_235 = vector.multi_reduction <minsi>, %select_n3A_233, %reduce_min3A_234 [1] : vector<10x10xi32> to vector<10xi32>
      %broadcast_in_dim3A_236 = vector.shape_cast %reduce_min3A_235 : vector<10xi32> to vector<10x1xi32>
      %ne3A = vector.broadcast %broadcast_in_dim3A_236 : vector<10x1xi32> to vector<10x10xi32>
      %ne3A_237 = arith.cmpi ne, %iota3A_22, %ne3A : vector<10x10xi32>
      %and3A = arith.andi %ge3A_223, %ne3A_237 : vector<10x10xi1>
      %jit3A_238 = arith.constant 3.000000e+38 : f32
      %broadcast_in_dim3A_239 = vector.broadcast %jit3A_238 : f32 to vector<10x10xf32>
      %select_n3A_240 = arith.select %and3A, %sqrt3A, %broadcast_in_dim3A_239 : vector<10x10xi1>, vector<10x10xf32>
      %reduce_min3A_241 = arith.constant dense<0x7F800000> : vector<10xf32>
      %reduce_min3A_242 = vector.multi_reduction <minimumf>, %select_n3A_240, %reduce_min3A_241 [1] : vector<10x10xf32> to vector<10xf32>
      %broadcast_in_dim3A_243 = vector.shape_cast %reduce_min3A_242 : vector<10xf32> to vector<10x1xf32>
      %eq3A_244 = vector.broadcast %broadcast_in_dim3A_243 : vector<10x1xf32> to vector<10x10xf32>
      %eq3A_245 = arith.cmpf oeq, %select_n3A_240, %eq3A_244 : vector<10x10xf32>
      %jit3A_246 = arith.constant 999 : i32
      %broadcast_in_dim3A_247 = vector.broadcast %jit3A_246 : i32 to vector<10x10xi32>
      %select_n3A_248 = arith.select %eq3A_245, %iota3A_22, %broadcast_in_dim3A_247 : vector<10x10xi1>, vector<10x10xi32>
      %reduce_min3A_249 = arith.constant dense<2147483647> : vector<10xi32>
      %reduce_min3A_250 = vector.multi_reduction <minsi>, %select_n3A_248, %reduce_min3A_249 [1] : vector<10x10xi32> to vector<10xi32>
      %broadcast_in_dim3A_251 = vector.shape_cast %reduce_min3A_250 : vector<10xi32> to vector<10x1xi32>
      %ne3A_252 = vector.broadcast %broadcast_in_dim3A_251 : vector<10x1xi32> to vector<10x10xi32>
      %ne3A_253 = arith.cmpi ne, %iota3A_22, %ne3A_252 : vector<10x10xi32>
      %and3A_254 = arith.andi %and3A, %ne3A_253 : vector<10x10xi1>
      %jit3A_255 = arith.constant 3.000000e+38 : f32
      %broadcast_in_dim3A_256 = vector.broadcast %jit3A_255 : f32 to vector<10x10xf32>
      %select_n3A_257 = arith.select %and3A_254, %sqrt3A, %broadcast_in_dim3A_256 : vector<10x10xi1>, vector<10x10xf32>
      %reduce_min3A_258 = arith.constant dense<0x7F800000> : vector<10xf32>
      %reduce_min3A_259 = vector.multi_reduction <minimumf>, %select_n3A_257, %reduce_min3A_258 [1] : vector<10x10xf32> to vector<10xf32>
      %broadcast_in_dim3A_260 = vector.shape_cast %reduce_min3A_259 : vector<10xf32> to vector<10x1xf32>
      %eq3A_261 = vector.broadcast %broadcast_in_dim3A_260 : vector<10x1xf32> to vector<10x10xf32>
      %eq3A_262 = arith.cmpf oeq, %select_n3A_257, %eq3A_261 : vector<10x10xf32>
      %jit3A_263 = arith.constant 999 : i32
      %broadcast_in_dim3A_264 = vector.broadcast %jit3A_263 : i32 to vector<10x10xi32>
      %select_n3A_265 = arith.select %eq3A_262, %iota3A_22, %broadcast_in_dim3A_264 : vector<10x10xi1>, vector<10x10xi32>
      %reduce_min3A_266 = arith.constant dense<2147483647> : vector<10xi32>
      %reduce_min3A_267 = vector.multi_reduction <minsi>, %select_n3A_265, %reduce_min3A_266 [1] : vector<10x10xi32> to vector<10xi32>
      %broadcast_in_dim3A_268 = vector.shape_cast %reduce_min3A_267 : vector<10xi32> to vector<10x1xi32>
      %ne3A_269 = vector.broadcast %broadcast_in_dim3A_268 : vector<10x1xi32> to vector<10x10xi32>
      %ne3A_270 = arith.cmpi ne, %iota3A_22, %ne3A_269 : vector<10x10xi32>
      %and3A_271 = arith.andi %and3A_254, %ne3A_270 : vector<10x10xi1>
      %jit3A_272 = arith.constant 3.000000e+38 : f32
      %broadcast_in_dim3A_273 = vector.broadcast %jit3A_272 : f32 to vector<10x10xf32>
      %select_n3A_274 = arith.select %and3A_271, %sqrt3A, %broadcast_in_dim3A_273 : vector<10x10xi1>, vector<10x10xf32>
      %reduce_min3A_275 = arith.constant dense<0x7F800000> : vector<10xf32>
      %reduce_min3A_276 = vector.multi_reduction <minimumf>, %select_n3A_274, %reduce_min3A_275 [1] : vector<10x10xf32> to vector<10xf32>
      %broadcast_in_dim3A_277 = vector.shape_cast %reduce_min3A_276 : vector<10xf32> to vector<10x1xf32>
      %eq3A_278 = vector.broadcast %broadcast_in_dim3A_277 : vector<10x1xf32> to vector<10x10xf32>
      %eq3A_279 = arith.cmpf oeq, %select_n3A_274, %eq3A_278 : vector<10x10xf32>
      %jit3A_280 = arith.constant 999 : i32
      %broadcast_in_dim3A_281 = vector.broadcast %jit3A_280 : i32 to vector<10x10xi32>
      %select_n3A_282 = arith.select %eq3A_279, %iota3A_22, %broadcast_in_dim3A_281 : vector<10x10xi1>, vector<10x10xi32>
      %reduce_min3A_283 = arith.constant dense<2147483647> : vector<10xi32>
      %reduce_min3A_284 = vector.multi_reduction <minsi>, %select_n3A_282, %reduce_min3A_283 [1] : vector<10x10xi32> to vector<10xi32>
      %broadcast_in_dim3A_285 = vector.shape_cast %reduce_min3A_284 : vector<10xi32> to vector<10x1xi32>
      %add3A_286 = arith.addf %broadcast_in_dim3A_228, %broadcast_in_dim3A_243 : vector<10x1xf32>
      %add3A_287 = arith.addf %add3A_286, %broadcast_in_dim3A_260 : vector<10x1xf32>
      %add3A_288 = arith.addf %add3A_287, %broadcast_in_dim3A_277 : vector<10x1xf32>
      %reduce_min3A_289 = vector.shape_cast %add3A_288 : vector<10x1xf32> to vector<1x10x1xf32>
      %reduce_min3A_290 = arith.constant dense<0x7F800000> : vector<1xf32>
      %reduce_min3A_291 = vector.multi_reduction <minimumf>, %reduce_min3A_289, %reduce_min3A_290 [1, 2] : vector<1x10x1xf32> to vector<1xf32>
      %reduce_min3A_292 = vector.shape_cast %reduce_min3A_291 : vector<1xf32> to vector<1x1x1xf32>
      %reduce_min3A_293 = vector.extract %reduce_min3A_292[0, 0, 0] : f32 from vector<1x1x1xf32>
      %eq3A_294 = vector.broadcast %reduce_min3A_293 : f32 to vector<10x1xf32>
      %eq3A_295 = arith.cmpf oeq, %add3A_288, %eq3A_294 : vector<10x1xf32>
      %jit3A_296 = arith.constant 999 : i32
      %broadcast_in_dim3A_297 = vector.broadcast %jit3A_296 : i32 to vector<10x1xi32>
      %select_n3A_298 = arith.select %eq3A_295, %iota3A_24, %broadcast_in_dim3A_297 : vector<10x1xi1>, vector<10x1xi32>
      %reduce_min3A_299 = vector.shape_cast %select_n3A_298 : vector<10x1xi32> to vector<1x10x1xi32>
      %reduce_min3A_300 = arith.constant dense<2147483647> : vector<1xi32>
      %reduce_min3A_301 = vector.multi_reduction <minsi>, %reduce_min3A_299, %reduce_min3A_300 [1, 2] : vector<1x10x1xi32> to vector<1xi32>
      %reduce_min3A_302 = vector.shape_cast %reduce_min3A_301 : vector<1xi32> to vector<1x1x1xi32>
      %reduce_min3A_303 = vector.extract %reduce_min3A_302[0, 0, 0] : i32 from vector<1x1x1xi32>
      %eq3A_304 = vector.broadcast %reduce_min3A_303 : i32 to vector<10x1xi32>
      %eq3A_305 = arith.cmpi eq, %iota3A_24, %eq3A_304 : vector<10x1xi32>
      %jit3A_306 = arith.constant 0 : i32
      %broadcast_in_dim3A_307 = vector.broadcast %jit3A_306 : i32 to vector<10x1xi32>
      %select_n3A_308 = arith.select %eq3A_305, %broadcast_in_dim3A_236, %broadcast_in_dim3A_307 : vector<10x1xi1>, vector<10x1xi32>
      %reduce_sum3A_309 = vector.shape_cast %select_n3A_308 : vector<10x1xi32> to vector<1x10x1xi32>
      %reduce_sum3A_310 = arith.constant dense<0> : vector<1xi32>
      %reduce_sum3A_311 = vector.multi_reduction <add>, %reduce_sum3A_309, %reduce_sum3A_310 [1, 2] : vector<1x10x1xi32> to vector<1xi32>
      %reduce_sum3A_312 = vector.shape_cast %reduce_sum3A_311 : vector<1xi32> to vector<1x1x1xi32>
      %reduce_sum3A_313 = vector.extract %reduce_sum3A_312[0, 0, 0] : i32 from vector<1x1x1xi32>
      %eq3A_314 = vector.broadcast %reduce_sum3A_313 : i32 to vector<10x1xi32>
      %eq3A_315 = arith.cmpi eq, %iota3A_24, %eq3A_314 : vector<10x1xi32>
      %jit3A_316 = arith.constant 0.000000e+00 : f32
      %broadcast_in_dim3A_317 = vector.broadcast %jit3A_316 : f32 to vector<10x1xf32>
      %select_n3A_318 = arith.select %eq3A_315, %add3A_288, %broadcast_in_dim3A_317 : vector<10x1xi1>, vector<10x1xf32>
      %reduce_sum3A_319 = vector.shape_cast %select_n3A_318 : vector<10x1xf32> to vector<1x10x1xf32>
      %reduce_sum3A_320 = arith.constant dense<0.000000e+00> : vector<1xf32>
      %reduce_sum3A_321 = vector.multi_reduction <add>, %reduce_sum3A_319, %reduce_sum3A_320 [1, 2] : vector<1x10x1xf32> to vector<1xf32>
      %reduce_sum3A_322 = vector.shape_cast %reduce_sum3A_321 : vector<1xf32> to vector<1x1x1xf32>
      %reduce_sum3A_323 = vector.extract %reduce_sum3A_322[0, 0, 0] : f32 from vector<1x1x1xf32>
      %eq3A_324 = vector.broadcast %reduce_min3A_303 : i32 to vector<10x1xi32>
      %eq3A_325 = arith.cmpi eq, %iota3A_24, %eq3A_324 : vector<10x1xi32>
      %jit3A_326 = arith.constant 0 : i32
      %broadcast_in_dim3A_327 = vector.broadcast %jit3A_326 : i32 to vector<10x1xi32>
      %select_n3A_328 = arith.select %eq3A_325, %broadcast_in_dim3A_251, %broadcast_in_dim3A_327 : vector<10x1xi1>, vector<10x1xi32>
      %reduce_sum3A_329 = vector.shape_cast %select_n3A_328 : vector<10x1xi32> to vector<1x10x1xi32>
      %reduce_sum3A_330 = arith.constant dense<0> : vector<1xi32>
      %reduce_sum3A_331 = vector.multi_reduction <add>, %reduce_sum3A_329, %reduce_sum3A_330 [1, 2] : vector<1x10x1xi32> to vector<1xi32>
      %reduce_sum3A_332 = vector.shape_cast %reduce_sum3A_331 : vector<1xi32> to vector<1x1x1xi32>
      %reduce_sum3A_333 = vector.extract %reduce_sum3A_332[0, 0, 0] : i32 from vector<1x1x1xi32>
      %eq3A_334 = vector.broadcast %reduce_sum3A_333 : i32 to vector<10x1xi32>
      %eq3A_335 = arith.cmpi eq, %iota3A_24, %eq3A_334 : vector<10x1xi32>
      %jit3A_336 = arith.constant 0.000000e+00 : f32
      %broadcast_in_dim3A_337 = vector.broadcast %jit3A_336 : f32 to vector<10x1xf32>
      %select_n3A_338 = arith.select %eq3A_335, %add3A_288, %broadcast_in_dim3A_337 : vector<10x1xi1>, vector<10x1xf32>
      %reduce_sum3A_339 = vector.shape_cast %select_n3A_338 : vector<10x1xf32> to vector<1x10x1xf32>
      %reduce_sum3A_340 = arith.constant dense<0.000000e+00> : vector<1xf32>
      %reduce_sum3A_341 = vector.multi_reduction <add>, %reduce_sum3A_339, %reduce_sum3A_340 [1, 2] : vector<1x10x1xf32> to vector<1xf32>
      %reduce_sum3A_342 = vector.shape_cast %reduce_sum3A_341 : vector<1xf32> to vector<1x1x1xf32>
      %reduce_sum3A_343 = vector.extract %reduce_sum3A_342[0, 0, 0] : f32 from vector<1x1x1xf32>
      %eq3A_344 = vector.broadcast %reduce_min3A_303 : i32 to vector<10x1xi32>
      %eq3A_345 = arith.cmpi eq, %iota3A_24, %eq3A_344 : vector<10x1xi32>
      %jit3A_346 = arith.constant 0 : i32
      %broadcast_in_dim3A_347 = vector.broadcast %jit3A_346 : i32 to vector<10x1xi32>
      %select_n3A_348 = arith.select %eq3A_345, %broadcast_in_dim3A_268, %broadcast_in_dim3A_347 : vector<10x1xi1>, vector<10x1xi32>
      %reduce_sum3A_349 = vector.shape_cast %select_n3A_348 : vector<10x1xi32> to vector<1x10x1xi32>
      %reduce_sum3A_350 = arith.constant dense<0> : vector<1xi32>
      %reduce_sum3A_351 = vector.multi_reduction <add>, %reduce_sum3A_349, %reduce_sum3A_350 [1, 2] : vector<1x10x1xi32> to vector<1xi32>
      %reduce_sum3A_352 = vector.shape_cast %reduce_sum3A_351 : vector<1xi32> to vector<1x1x1xi32>
      %reduce_sum3A_353 = vector.extract %reduce_sum3A_352[0, 0, 0] : i32 from vector<1x1x1xi32>
      %eq3A_354 = vector.broadcast %reduce_sum3A_353 : i32 to vector<10x1xi32>
      %eq3A_355 = arith.cmpi eq, %iota3A_24, %eq3A_354 : vector<10x1xi32>
      %jit3A_356 = arith.constant 0.000000e+00 : f32
      %broadcast_in_dim3A_357 = vector.broadcast %jit3A_356 : f32 to vector<10x1xf32>
      %select_n3A_358 = arith.select %eq3A_355, %add3A_288, %broadcast_in_dim3A_357 : vector<10x1xi1>, vector<10x1xf32>
      %reduce_sum3A_359 = vector.shape_cast %select_n3A_358 : vector<10x1xf32> to vector<1x10x1xf32>
      %reduce_sum3A_360 = arith.constant dense<0.000000e+00> : vector<1xf32>
      %reduce_sum3A_361 = vector.multi_reduction <add>, %reduce_sum3A_359, %reduce_sum3A_360 [1, 2] : vector<1x10x1xf32> to vector<1xf32>
      %reduce_sum3A_362 = vector.shape_cast %reduce_sum3A_361 : vector<1xf32> to vector<1x1x1xf32>
      %reduce_sum3A_363 = vector.extract %reduce_sum3A_362[0, 0, 0] : f32 from vector<1x1x1xf32>
      %eq3A_364 = vector.broadcast %reduce_min3A_303 : i32 to vector<10x1xi32>
      %eq3A_365 = arith.cmpi eq, %iota3A_24, %eq3A_364 : vector<10x1xi32>
      %jit3A_366 = arith.constant 0 : i32
      %broadcast_in_dim3A_367 = vector.broadcast %jit3A_366 : i32 to vector<10x1xi32>
      %select_n3A_368 = arith.select %eq3A_365, %broadcast_in_dim3A_285, %broadcast_in_dim3A_367 : vector<10x1xi1>, vector<10x1xi32>
      %reduce_sum3A_369 = vector.shape_cast %select_n3A_368 : vector<10x1xi32> to vector<1x10x1xi32>
      %reduce_sum3A_370 = arith.constant dense<0> : vector<1xi32>
      %reduce_sum3A_371 = vector.multi_reduction <add>, %reduce_sum3A_369, %reduce_sum3A_370 [1, 2] : vector<1x10x1xi32> to vector<1xi32>
      %reduce_sum3A_372 = vector.shape_cast %reduce_sum3A_371 : vector<1xi32> to vector<1x1x1xi32>
      %reduce_sum3A_373 = vector.extract %reduce_sum3A_372[0, 0, 0] : i32 from vector<1x1x1xi32>
      %eq3A_374 = vector.broadcast %reduce_sum3A_373 : i32 to vector<10x1xi32>
      %eq3A_375 = arith.cmpi eq, %iota3A_24, %eq3A_374 : vector<10x1xi32>
      %jit3A_376 = arith.constant 0.000000e+00 : f32
      %broadcast_in_dim3A_377 = vector.broadcast %jit3A_376 : f32 to vector<10x1xf32>
      %select_n3A_378 = arith.select %eq3A_375, %add3A_288, %broadcast_in_dim3A_377 : vector<10x1xi1>, vector<10x1xf32>
      %reduce_sum3A_379 = vector.shape_cast %select_n3A_378 : vector<10x1xf32> to vector<1x10x1xf32>
      %reduce_sum3A_380 = arith.constant dense<0.000000e+00> : vector<1xf32>
      %reduce_sum3A_381 = vector.multi_reduction <add>, %reduce_sum3A_379, %reduce_sum3A_380 [1, 2] : vector<1x10x1xf32> to vector<1xf32>
      %reduce_sum3A_382 = vector.shape_cast %reduce_sum3A_381 : vector<1xf32> to vector<1x1x1xf32>
      %reduce_sum3A_383 = vector.extract %reduce_sum3A_382[0, 0, 0] : f32 from vector<1x1x1xf32>
      %iota3A_384 = tpu.iota {dimensions = array<i32: 1>} : vector<1x128xi32>
      %lt3A = arith.constant 4 : i32
      %lt3A_385 = vector.broadcast %lt3A : i32 to vector<1x128xi32>
      %lt3A_386 = arith.cmpi slt, %iota3A_384, %lt3A_385 : vector<1x128xi32>
      %broadcast_in_dim3A_387 = arith.constant 0.000000e+00 : f32
      %broadcast_in_dim3A_388 = vector.broadcast %broadcast_in_dim3A_387 : f32 to vector<1x128xf32>
      %eq3A_389 = arith.constant 0 : i32
      %eq3A_390 = vector.broadcast %eq3A_389 : i32 to vector<1x128xi32>
      %eq3A_391 = arith.cmpi eq, %iota3A_384, %eq3A_390 : vector<1x128xi32>
      %jit3A_392 = arith.constant 0.000000e+00 : f32
      %broadcast_in_dim3A_393 = vector.broadcast %reduce_sum3A_323 : f32 to vector<1x128xf32>
      %broadcast_in_dim3A_394 = vector.broadcast %jit3A_392 : f32 to vector<1x128xf32>
      %select_n3A_395 = arith.select %eq3A_391, %broadcast_in_dim3A_393, %broadcast_in_dim3A_394 : vector<1x128xi1>, vector<1x128xf32>
      %add3A_396 = arith.addf %broadcast_in_dim3A_388, %select_n3A_395 : vector<1x128xf32>
      %eq3A_397 = arith.constant 1 : i32
      %eq3A_398 = vector.broadcast %eq3A_397 : i32 to vector<1x128xi32>
      %eq3A_399 = arith.cmpi eq, %iota3A_384, %eq3A_398 : vector<1x128xi32>
      %jit3A_400 = arith.constant 0.000000e+00 : f32
      %broadcast_in_dim3A_401 = vector.broadcast %reduce_sum3A_343 : f32 to vector<1x128xf32>
      %broadcast_in_dim3A_402 = vector.broadcast %jit3A_400 : f32 to vector<1x128xf32>
      %select_n3A_403 = arith.select %eq3A_399, %broadcast_in_dim3A_401, %broadcast_in_dim3A_402 : vector<1x128xi1>, vector<1x128xf32>
      %add3A_404 = arith.addf %add3A_396, %select_n3A_403 : vector<1x128xf32>
      %eq3A_405 = arith.constant 2 : i32
      %eq3A_406 = vector.broadcast %eq3A_405 : i32 to vector<1x128xi32>
      %eq3A_407 = arith.cmpi eq, %iota3A_384, %eq3A_406 : vector<1x128xi32>
      %jit3A_408 = arith.constant 0.000000e+00 : f32
      %broadcast_in_dim3A_409 = vector.broadcast %reduce_sum3A_363 : f32 to vector<1x128xf32>
      %broadcast_in_dim3A_410 = vector.broadcast %jit3A_408 : f32 to vector<1x128xf32>
      %select_n3A_411 = arith.select %eq3A_407, %broadcast_in_dim3A_409, %broadcast_in_dim3A_410 : vector<1x128xi1>, vector<1x128xf32>
      %add3A_412 = arith.addf %add3A_404, %select_n3A_411 : vector<1x128xf32>
      %eq3A_413 = arith.constant 3 : i32
      %eq3A_414 = vector.broadcast %eq3A_413 : i32 to vector<1x128xi32>
      %eq3A_415 = arith.cmpi eq, %iota3A_384, %eq3A_414 : vector<1x128xi32>
      %jit3A_416 = arith.constant 0.000000e+00 : f32
      %broadcast_in_dim3A_417 = vector.broadcast %reduce_sum3A_383 : f32 to vector<1x128xf32>
      %broadcast_in_dim3A_418 = vector.broadcast %jit3A_416 : f32 to vector<1x128xf32>
      %select_n3A_419 = arith.select %eq3A_415, %broadcast_in_dim3A_417, %broadcast_in_dim3A_418 : vector<1x128xi1>, vector<1x128xf32>
      %add3A_420 = arith.addf %add3A_412, %select_n3A_419 : vector<1x128xf32>
      %jit3A_421 = arith.constant 3.000000e+38 : f32
      %broadcast_in_dim3A_422 = vector.broadcast %jit3A_421 : f32 to vector<1x128xf32>
      %select_n3A_423 = arith.select %lt3A_386, %add3A_420, %broadcast_in_dim3A_422 : vector<1x128xi1>, vector<1x128xf32>
      %reduce_min3A_424 = vector.shape_cast %select_n3A_423 : vector<1x128xf32> to vector<1x1x128xf32>
      %reduce_min3A_425 = arith.constant dense<0x7F800000> : vector<1xf32>
      %reduce_min3A_426 = vector.multi_reduction <minimumf>, %reduce_min3A_424, %reduce_min3A_425 [1, 2] : vector<1x1x128xf32> to vector<1xf32>
      %reduce_min3A_427 = vector.shape_cast %reduce_min3A_426 : vector<1xf32> to vector<1x1x1xf32>
      %reduce_min3A_428 = vector.extract %reduce_min3A_427[0, 0, 0] : f32 from vector<1x1x1xf32>
      %neg3A = arith.constant 0.000000e+00 : f32
      %neg3A_429 = arith.constant 3.000000e+38 : f32
      %neg3A_430 = arith.subf %neg3A, %neg3A_429 : f32
      %broadcast_in_dim3A_431 = vector.broadcast %neg3A_430 : f32 to vector<1x128xf32>
      %select_n3A_432 = arith.select %lt3A_386, %add3A_420, %broadcast_in_dim3A_431 : vector<1x128xi1>, vector<1x128xf32>
      %reduce_max3A = vector.shape_cast %select_n3A_432 : vector<1x128xf32> to vector<1x1x128xf32>
      %reduce_max3A_433 = arith.constant dense<0xFF800000> : vector<1xf32>
      %reduce_max3A_434 = vector.multi_reduction <maximumf>, %reduce_max3A, %reduce_max3A_433 [1, 2] : vector<1x1x128xf32> to vector<1xf32>
      %reduce_max3A_435 = vector.shape_cast %reduce_max3A_434 : vector<1xf32> to vector<1x1x1xf32>
      %reduce_max3A_436 = vector.extract %reduce_max3A_435[0, 0, 0] : f32 from vector<1x1x1xf32>
      %ne3A_437 = arith.cmpf one, %reduce_min3A_428, %reduce_max3A_436 : f32
      %sub3A_438 = arith.subf %reduce_max3A_436, %reduce_min3A_428 : f32
      %jit3A_439 = arith.constant 1.000000e+00 : f32
      %select_n3A_440 = arith.select %ne3A_437, %sub3A_438, %jit3A_439 : f32
      %sub3A_441 = vector.broadcast %reduce_max3A_436 : f32 to vector<1x128xf32>
      %sub3A_442 = arith.subf %sub3A_441, %add3A_420 : vector<1x128xf32>
      %div3A = vector.broadcast %select_n3A_440 : f32 to vector<1x128xf32>
      %div3A_443 = arith.divf %sub3A_442, %div3A : vector<1x128xf32>
      %select_n3A_444 = arith.select %ne3A_437, %div3A_443, %add3A_420 : vector<1x128xf32>
      %jit3A_445 = arith.constant 0.000000e+00 : f32
      %broadcast_in_dim3A_446 = vector.broadcast %jit3A_445 : f32 to vector<1x128xf32>
      %select_n3A_447 = arith.select %lt3A_386, %select_n3A_444, %broadcast_in_dim3A_446 : vector<1x128xi1>, vector<1x128xf32>
      %reduce_sum3A_448 = vector.shape_cast %select_n3A_447 : vector<1x128xf32> to vector<1x1x128xf32>
      %reduce_sum3A_449 = arith.constant dense<0.000000e+00> : vector<1xf32>
      %reduce_sum3A_450 = vector.multi_reduction <add>, %reduce_sum3A_448, %reduce_sum3A_449 [1, 2] : vector<1x1x128xf32> to vector<1xf32>
      %reduce_sum3A_451 = vector.shape_cast %reduce_sum3A_450 : vector<1xf32> to vector<1x1x1xf32>
      %reduce_sum3A_452 = vector.extract %reduce_sum3A_451[0, 0, 0] : f32 from vector<1x1x1xf32>
      %div3A_453 = vector.broadcast %reduce_sum3A_452 : f32 to vector<1x128xf32>
      %div3A_454 = arith.divf %select_n3A_447, %div3A_453 : vector<1x128xf32>
      %ne3A_455 = arith.constant 0.000000e+00 : f32
      %ne3A_456 = vector.broadcast %ne3A_455 : f32 to vector<1x128xf32>
      %ne3A_457 = arith.cmpf one, %div3A_454, %ne3A_456 : vector<1x128xf32>
      %and3A_458 = arith.andi %lt3A_386, %ne3A_457 : vector<1x128xi1>
      %jit3A_459 = arith.constant 1.000000e+00 : f32
      %broadcast_in_dim3A_460 = vector.broadcast %jit3A_459 : f32 to vector<1x128xf32>
      %select_n3A_461 = arith.select %ne3A_457, %div3A_454, %broadcast_in_dim3A_460 : vector<1x128xi1>, vector<1x128xf32>
      %log3A = math.log %select_n3A_461 : vector<1x128xf32>
      %mul3A_462 = arith.mulf %div3A_454, %log3A : vector<1x128xf32>
      %jit3A_463 = arith.constant 0.000000e+00 : f32
      %broadcast_in_dim3A_464 = vector.broadcast %jit3A_463 : f32 to vector<1x128xf32>
      %select_n3A_465 = arith.select %and3A_458, %mul3A_462, %broadcast_in_dim3A_464 : vector<1x128xi1>, vector<1x128xf32>
      %reduce_sum3A_466 = vector.shape_cast %select_n3A_465 : vector<1x128xf32> to vector<1x1x128xf32>
      %reduce_sum3A_467 = arith.constant dense<0.000000e+00> : vector<1xf32>
      %reduce_sum3A_468 = vector.multi_reduction <add>, %reduce_sum3A_466, %reduce_sum3A_467 [1, 2] : vector<1x1x128xf32> to vector<1xf32>
      %reduce_sum3A_469 = vector.shape_cast %reduce_sum3A_468 : vector<1xf32> to vector<1x1x1xf32>
      %reduce_sum3A_470 = vector.extract %reduce_sum3A_469[0, 0, 0] : f32 from vector<1x1x1xf32>
      %mul3A_471 = arith.constant -0.72134751 : f32
      %mul3A_472 = arith.mulf %mul3A_471, %reduce_sum3A_470 : f32
      %jit3A_473 = arith.constant 5.000000e-02 : f32
      %jit3A_474 = arith.constant 0.000000e+00 : f32
      %broadcast_in_dim3A_475 = vector.broadcast %jit3A_473 : f32 to vector<1x128xf32>
      %broadcast_in_dim3A_476 = vector.broadcast %jit3A_474 : f32 to vector<1x128xf32>
      %select_n3A_477 = arith.select %lt3A_386, %broadcast_in_dim3A_475, %broadcast_in_dim3A_476 : vector<1x128xi1>, vector<1x128xf32>
      %reduce_sum3A_478 = vector.shape_cast %select_n3A_477 : vector<1x128xf32> to vector<1x1x128xf32>
      %reduce_sum3A_479 = arith.constant dense<0.000000e+00> : vector<1xf32>
      %reduce_sum3A_480 = vector.multi_reduction <add>, %reduce_sum3A_478, %reduce_sum3A_479 [1, 2] : vector<1x1x128xf32> to vector<1xf32>
      %reduce_sum3A_481 = vector.shape_cast %reduce_sum3A_480 : vector<1xf32> to vector<1x1x1xf32>
      %reduce_sum3A_482 = vector.extract %reduce_sum3A_481[0, 0, 0] : f32 from vector<1x1x1xf32>
      %div3A_483 = vector.broadcast %reduce_sum3A_482 : f32 to vector<1x128xf32>
      %div3A_484 = arith.divf %select_n3A_477, %div3A_483 : vector<1x128xf32>
      %ne3A_485 = arith.constant 0.000000e+00 : f32
      %ne3A_486 = vector.broadcast %ne3A_485 : f32 to vector<1x128xf32>
      %ne3A_487 = arith.cmpf one, %div3A_484, %ne3A_486 : vector<1x128xf32>
      %and3A_488 = arith.andi %lt3A_386, %ne3A_487 : vector<1x128xi1>
      %jit3A_489 = arith.constant 1.000000e+00 : f32
      %broadcast_in_dim3A_490 = vector.broadcast %jit3A_489 : f32 to vector<1x128xf32>
      %select_n3A_491 = arith.select %ne3A_487, %div3A_484, %broadcast_in_dim3A_490 : vector<1x128xi1>, vector<1x128xf32>
      %log3A_492 = math.log %select_n3A_491 : vector<1x128xf32>
      %mul3A_493 = arith.mulf %div3A_484, %log3A_492 : vector<1x128xf32>
      %jit3A_494 = arith.constant 0.000000e+00 : f32
      %broadcast_in_dim3A_495 = vector.broadcast %jit3A_494 : f32 to vector<1x128xf32>
      %select_n3A_496 = arith.select %and3A_488, %mul3A_493, %broadcast_in_dim3A_495 : vector<1x128xi1>, vector<1x128xf32>
      %reduce_sum3A_497 = vector.shape_cast %select_n3A_496 : vector<1x128xf32> to vector<1x1x128xf32>
      %reduce_sum3A_498 = arith.constant dense<0.000000e+00> : vector<1xf32>
      %reduce_sum3A_499 = vector.multi_reduction <add>, %reduce_sum3A_497, %reduce_sum3A_498 [1, 2] : vector<1x1x128xf32> to vector<1xf32>
      %reduce_sum3A_500 = vector.shape_cast %reduce_sum3A_499 : vector<1xf32> to vector<1x1x1xf32>
      %reduce_sum3A_501 = vector.extract %reduce_sum3A_500[0, 0, 0] : f32 from vector<1x1x1xf32>
      %mul3A_502 = arith.constant -0.72134751 : f32
      %mul3A_503 = arith.mulf %mul3A_502, %reduce_sum3A_501 : f32
      %sub3A_504 = arith.constant 1.000000e+00 : f32
      %sub3A_505 = arith.subf %sub3A_504, %mul3A_472 : f32
      %sub3A_506 = arith.constant 2.000000e+00 : f32
      %sub3A_507 = arith.subf %sub3A_506, %mul3A_472 : f32
      %sub3A_508 = arith.subf %sub3A_507, %mul3A_503 : f32
      %div3A_509 = arith.divf %sub3A_505, %sub3A_508 : f32
      %sub3A_510 = arith.constant 1.000000e+00 : f32
      %sub3A_511 = arith.subf %sub3A_510, %mul3A_503 : f32
      %sub3A_512 = arith.constant 2.000000e+00 : f32
      %sub3A_513 = arith.subf %sub3A_512, %mul3A_472 : f32
      %sub3A_514 = arith.subf %sub3A_513, %mul3A_503 : f32
      %div3A_515 = arith.divf %sub3A_511, %sub3A_514 : f32
      %mul3A_516 = vector.broadcast %div3A_509 : f32 to vector<1x128xf32>
      %mul3A_517 = arith.mulf %mul3A_516, %add3A_420 : vector<1x128xf32>
      %mul3A_518 = vector.broadcast %div3A_515 : f32 to vector<1x128xf32>
      %mul3A_519 = arith.mulf %mul3A_518, %select_n3A_477 : vector<1x128xf32>
      %add3A_520 = arith.addf %mul3A_517, %mul3A_519 : vector<1x128xf32>
      %jit3A_521 = arith.constant 0.000000e+00 : f32
      %broadcast_in_dim3A_522 = vector.broadcast %jit3A_521 : f32 to vector<1x128xf32>
      %select_n3A_523 = arith.select %lt3A_386, %add3A_520, %broadcast_in_dim3A_522 : vector<1x128xi1>, vector<1x128xf32>
      %reduce_sum3A_524 = vector.shape_cast %select_n3A_523 : vector<1x128xf32> to vector<1x1x128xf32>
      %reduce_sum3A_525 = arith.constant dense<0.000000e+00> : vector<1xf32>
      %reduce_sum3A_526 = vector.multi_reduction <add>, %reduce_sum3A_524, %reduce_sum3A_525 [1, 2] : vector<1x1x128xf32> to vector<1xf32>
      %reduce_sum3A_527 = vector.shape_cast %reduce_sum3A_526 : vector<1xf32> to vector<1x1x1xf32>
      %reduce_sum3A_528 = vector.extract %reduce_sum3A_527[0, 0, 0] : f32 from vector<1x1x1xf32>
      %div3A_529 = vector.broadcast %reduce_sum3A_528 : f32 to vector<1x128xf32>
      %div3A_530 = arith.divf %select_n3A_523, %div3A_529 : vector<1x128xf32>
      %broadcast_in_dim3A_531 = arith.constant 0.000000e+00 : f32
      %broadcast_in_dim3A_532 = vector.broadcast %broadcast_in_dim3A_531 : f32 to vector<1x128xf32>
      %eq3A_533 = arith.constant 0 : i32
      %eq3A_534 = vector.broadcast %eq3A_533 : i32 to vector<1x128xi32>
      %eq3A_535 = arith.cmpi eq, %iota3A_384, %eq3A_534 : vector<1x128xi32>
      %jit3A_536 = arith.constant 0.000000e+00 : f32
      %broadcast_in_dim3A_537 = vector.broadcast %jit3A_536 : f32 to vector<1x128xf32>
      %select_n3A_538 = arith.select %eq3A_535, %div3A_530, %broadcast_in_dim3A_537 : vector<1x128xi1>, vector<1x128xf32>
      %reduce_sum3A_539 = vector.shape_cast %select_n3A_538 : vector<1x128xf32> to vector<1x1x128xf32>
      %reduce_sum3A_540 = arith.constant dense<0.000000e+00> : vector<1xf32>
      %reduce_sum3A_541 = vector.multi_reduction <add>, %reduce_sum3A_539, %reduce_sum3A_540 [1, 2] : vector<1x1x128xf32> to vector<1xf32>
      %reduce_sum3A_542 = vector.shape_cast %reduce_sum3A_541 : vector<1xf32> to vector<1x1x1xf32>
      %reduce_sum3A_543 = vector.extract %reduce_sum3A_542[0, 0, 0] : f32 from vector<1x1x1xf32>
      %eq3A_544 = arith.constant 0 : i32
      %eq3A_545 = vector.broadcast %eq3A_544 : i32 to vector<1x128xi32>
      %eq3A_546 = arith.cmpi eq, %iota3A_384, %eq3A_545 : vector<1x128xi32>
      %jit3A_547 = arith.constant 0.000000e+00 : f32
      %broadcast_in_dim3A_548 = vector.broadcast %reduce_sum3A_543 : f32 to vector<1x128xf32>
      %broadcast_in_dim3A_549 = vector.broadcast %jit3A_547 : f32 to vector<1x128xf32>
      %select_n3A_550 = arith.select %eq3A_546, %broadcast_in_dim3A_548, %broadcast_in_dim3A_549 : vector<1x128xi1>, vector<1x128xf32>
      %add3A_551 = arith.addf %broadcast_in_dim3A_532, %select_n3A_550 : vector<1x128xf32>
      %eq3A_552 = arith.constant 4 : i32
      %eq3A_553 = vector.broadcast %eq3A_552 : i32 to vector<1x128xi32>
      %eq3A_554 = arith.cmpi eq, %iota3A_384, %eq3A_553 : vector<1x128xi32>
      %convert_element_type3A_555 = arith.sitofp %reduce_sum3A_313 : i32 to f32
      %jit3A_556 = arith.constant 0.000000e+00 : f32
      %broadcast_in_dim3A_557 = vector.broadcast %convert_element_type3A_555 : f32 to vector<1x128xf32>
      %broadcast_in_dim3A_558 = vector.broadcast %jit3A_556 : f32 to vector<1x128xf32>
      %select_n3A_559 = arith.select %eq3A_554, %broadcast_in_dim3A_557, %broadcast_in_dim3A_558 : vector<1x128xi1>, vector<1x128xf32>
      %add3A_560 = arith.addf %add3A_551, %select_n3A_559 : vector<1x128xf32>
      %eq3A_561 = arith.constant 1 : i32
      %eq3A_562 = vector.broadcast %eq3A_561 : i32 to vector<1x128xi32>
      %eq3A_563 = arith.cmpi eq, %iota3A_384, %eq3A_562 : vector<1x128xi32>
      %jit3A_564 = arith.constant 0.000000e+00 : f32
      %broadcast_in_dim3A_565 = vector.broadcast %jit3A_564 : f32 to vector<1x128xf32>
      %select_n3A_566 = arith.select %eq3A_563, %div3A_530, %broadcast_in_dim3A_565 : vector<1x128xi1>, vector<1x128xf32>
      %reduce_sum3A_567 = vector.shape_cast %select_n3A_566 : vector<1x128xf32> to vector<1x1x128xf32>
      %reduce_sum3A_568 = arith.constant dense<0.000000e+00> : vector<1xf32>
      %reduce_sum3A_569 = vector.multi_reduction <add>, %reduce_sum3A_567, %reduce_sum3A_568 [1, 2] : vector<1x1x128xf32> to vector<1xf32>
      %reduce_sum3A_570 = vector.shape_cast %reduce_sum3A_569 : vector<1xf32> to vector<1x1x1xf32>
      %reduce_sum3A_571 = vector.extract %reduce_sum3A_570[0, 0, 0] : f32 from vector<1x1x1xf32>
      %eq3A_572 = arith.constant 1 : i32
      %eq3A_573 = vector.broadcast %eq3A_572 : i32 to vector<1x128xi32>
      %eq3A_574 = arith.cmpi eq, %iota3A_384, %eq3A_573 : vector<1x128xi32>
      %jit3A_575 = arith.constant 0.000000e+00 : f32
      %broadcast_in_dim3A_576 = vector.broadcast %reduce_sum3A_571 : f32 to vector<1x128xf32>
      %broadcast_in_dim3A_577 = vector.broadcast %jit3A_575 : f32 to vector<1x128xf32>
      %select_n3A_578 = arith.select %eq3A_574, %broadcast_in_dim3A_576, %broadcast_in_dim3A_577 : vector<1x128xi1>, vector<1x128xf32>
      %add3A_579 = arith.addf %add3A_560, %select_n3A_578 : vector<1x128xf32>
      %eq3A_580 = arith.constant 5 : i32
      %eq3A_581 = vector.broadcast %eq3A_580 : i32 to vector<1x128xi32>
      %eq3A_582 = arith.cmpi eq, %iota3A_384, %eq3A_581 : vector<1x128xi32>
      %convert_element_type3A_583 = arith.sitofp %reduce_sum3A_333 : i32 to f32
      %jit3A_584 = arith.constant 0.000000e+00 : f32
      %broadcast_in_dim3A_585 = vector.broadcast %convert_element_type3A_583 : f32 to vector<1x128xf32>
      %broadcast_in_dim3A_586 = vector.broadcast %jit3A_584 : f32 to vector<1x128xf32>
      %select_n3A_587 = arith.select %eq3A_582, %broadcast_in_dim3A_585, %broadcast_in_dim3A_586 : vector<1x128xi1>, vector<1x128xf32>
      %add3A_588 = arith.addf %add3A_579, %select_n3A_587 : vector<1x128xf32>
      %eq3A_589 = arith.constant 2 : i32
      %eq3A_590 = vector.broadcast %eq3A_589 : i32 to vector<1x128xi32>
      %eq3A_591 = arith.cmpi eq, %iota3A_384, %eq3A_590 : vector<1x128xi32>
      %jit3A_592 = arith.constant 0.000000e+00 : f32
      %broadcast_in_dim3A_593 = vector.broadcast %jit3A_592 : f32 to vector<1x128xf32>
      %select_n3A_594 = arith.select %eq3A_591, %div3A_530, %broadcast_in_dim3A_593 : vector<1x128xi1>, vector<1x128xf32>
      %reduce_sum3A_595 = vector.shape_cast %select_n3A_594 : vector<1x128xf32> to vector<1x1x128xf32>
      %reduce_sum3A_596 = arith.constant dense<0.000000e+00> : vector<1xf32>
      %reduce_sum3A_597 = vector.multi_reduction <add>, %reduce_sum3A_595, %reduce_sum3A_596 [1, 2] : vector<1x1x128xf32> to vector<1xf32>
      %reduce_sum3A_598 = vector.shape_cast %reduce_sum3A_597 : vector<1xf32> to vector<1x1x1xf32>
      %reduce_sum3A_599 = vector.extract %reduce_sum3A_598[0, 0, 0] : f32 from vector<1x1x1xf32>
      %eq3A_600 = arith.constant 2 : i32
      %eq3A_601 = vector.broadcast %eq3A_600 : i32 to vector<1x128xi32>
      %eq3A_602 = arith.cmpi eq, %iota3A_384, %eq3A_601 : vector<1x128xi32>
      %jit3A_603 = arith.constant 0.000000e+00 : f32
      %broadcast_in_dim3A_604 = vector.broadcast %reduce_sum3A_599 : f32 to vector<1x128xf32>
      %broadcast_in_dim3A_605 = vector.broadcast %jit3A_603 : f32 to vector<1x128xf32>
      %select_n3A_606 = arith.select %eq3A_602, %broadcast_in_dim3A_604, %broadcast_in_dim3A_605 : vector<1x128xi1>, vector<1x128xf32>
      %add3A_607 = arith.addf %add3A_588, %select_n3A_606 : vector<1x128xf32>
      %eq3A_608 = arith.constant 6 : i32
      %eq3A_609 = vector.broadcast %eq3A_608 : i32 to vector<1x128xi32>
      %eq3A_610 = arith.cmpi eq, %iota3A_384, %eq3A_609 : vector<1x128xi32>
      %convert_element_type3A_611 = arith.sitofp %reduce_sum3A_353 : i32 to f32
      %jit3A_612 = arith.constant 0.000000e+00 : f32
      %broadcast_in_dim3A_613 = vector.broadcast %convert_element_type3A_611 : f32 to vector<1x128xf32>
      %broadcast_in_dim3A_614 = vector.broadcast %jit3A_612 : f32 to vector<1x128xf32>
      %select_n3A_615 = arith.select %eq3A_610, %broadcast_in_dim3A_613, %broadcast_in_dim3A_614 : vector<1x128xi1>, vector<1x128xf32>
      %add3A_616 = arith.addf %add3A_607, %select_n3A_615 : vector<1x128xf32>
      %eq3A_617 = arith.constant 3 : i32
      %eq3A_618 = vector.broadcast %eq3A_617 : i32 to vector<1x128xi32>
      %eq3A_619 = arith.cmpi eq, %iota3A_384, %eq3A_618 : vector<1x128xi32>
      %jit3A_620 = arith.constant 0.000000e+00 : f32
      %broadcast_in_dim3A_621 = vector.broadcast %jit3A_620 : f32 to vector<1x128xf32>
      %select_n3A_622 = arith.select %eq3A_619, %div3A_530, %broadcast_in_dim3A_621 : vector<1x128xi1>, vector<1x128xf32>
      %reduce_sum3A_623 = vector.shape_cast %select_n3A_622 : vector<1x128xf32> to vector<1x1x128xf32>
      %reduce_sum3A_624 = arith.constant dense<0.000000e+00> : vector<1xf32>
      %reduce_sum3A_625 = vector.multi_reduction <add>, %reduce_sum3A_623, %reduce_sum3A_624 [1, 2] : vector<1x1x128xf32> to vector<1xf32>
      %reduce_sum3A_626 = vector.shape_cast %reduce_sum3A_625 : vector<1xf32> to vector<1x1x1xf32>
      %reduce_sum3A_627 = vector.extract %reduce_sum3A_626[0, 0, 0] : f32 from vector<1x1x1xf32>
      %eq3A_628 = arith.constant 3 : i32
      %eq3A_629 = vector.broadcast %eq3A_628 : i32 to vector<1x128xi32>
      %eq3A_630 = arith.cmpi eq, %iota3A_384, %eq3A_629 : vector<1x128xi32>
      %jit3A_631 = arith.constant 0.000000e+00 : f32
      %broadcast_in_dim3A_632 = vector.broadcast %reduce_sum3A_627 : f32 to vector<1x128xf32>
      %broadcast_in_dim3A_633 = vector.broadcast %jit3A_631 : f32 to vector<1x128xf32>
      %select_n3A_634 = arith.select %eq3A_630, %broadcast_in_dim3A_632, %broadcast_in_dim3A_633 : vector<1x128xi1>, vector<1x128xf32>
      %add3A_635 = arith.addf %add3A_616, %select_n3A_634 : vector<1x128xf32>
      %eq3A_636 = arith.constant 7 : i32
      %eq3A_637 = vector.broadcast %eq3A_636 : i32 to vector<1x128xi32>
      %eq3A_638 = arith.cmpi eq, %iota3A_384, %eq3A_637 : vector<1x128xi32>
      %convert_element_type3A_639 = arith.sitofp %reduce_sum3A_373 : i32 to f32
      %jit3A_640 = arith.constant 0.000000e+00 : f32
      %broadcast_in_dim3A_641 = vector.broadcast %convert_element_type3A_639 : f32 to vector<1x128xf32>
      %broadcast_in_dim3A_642 = vector.broadcast %jit3A_640 : f32 to vector<1x128xf32>
      %select_n3A_643 = arith.select %eq3A_638, %broadcast_in_dim3A_641, %broadcast_in_dim3A_642 : vector<1x128xi1>, vector<1x128xf32>
      %add3A_644 = arith.addf %add3A_635, %select_n3A_643 : vector<1x128xf32>
      %swap3A = arith.constant 0 : index
      %swap3A_645 = arith.constant 0 : index
      %swap3A_646 = vector.load %arg2[%swap3A, %swap3A_645] : memref<1x128xf32, #tpu.memory_space<vmem>>, vector<1x128xf32>
      tpu.vector_store %arg2[%swap3A, %swap3A_645], %add3A_644 {strides = array<i32>} : memref<1x128xf32, #tpu.memory_space<vmem>>, vector<1x128xf32>,
    } else {
    }
    return
  }
  func.func @transform_0(%arg0: i32) -> (i32, i32) {
    %c0_i32 = arith.constant 0 : i32
    %c0_i32_0 = arith.constant 0 : i32
    return %arg0, %c0_i32 : i32, i32
  }
  func.func @transform_1(%arg0: i32) -> (i32, i32) {
    %c0_i32 = arith.constant 0 : i32
    %c0_i32_0 = arith.constant 0 : i32
    %c0_i32_1 = arith.constant 0 : i32
    return %c0_i32, %c0_i32_0 : i32, i32
  }
}

</mosaic_0001>

<sc_bundles>
// kernel: kernel.4.cloned.1.call-start
scs
__scs_entry_jumppad:
0x0: {  	(pc) =	sbr.rel $0x88, $3  }
0x1: {  	(tag) =	ssettag $0x0;
	lr =	simm.s32 $0x1  }
0x2: {  	[smem:$0x3FA0] =	sst lr;
	_ =	strace $0xD0000000  }
0x3: {  	_ = 	snop  }
0x4: {  	_ = 	snop  }
0x5: {  	_ = 	snop  }
0x6: {  	_ = 	snop  }
0x7: {  	_ = 	snop  }
__scs_overlays_trampoline_lowered:
0x8: {  	[smem:$0x3FAF] =	sst s0  }
0x9: {  	[smem:$0x3FB0] =	sst s1  }
0xa: {  	[smem:$0x3FB1] =	sst s2  }
0xb: {  	[smem:$0x3FB2] =	sst s3  }
0xc: {  	[smem:$0x3FB3] =	sst s4  }
0xd: {  	[smem:$0x3FB4] =	sst s5  }
0xe: {  	[smem:$0x3FB5] =	sst s6  }
0xf: {  	[smem:$0x3FB6] =	sst s7  }
0x10: {  	[smem:$0x3FB7] =	sst s8  }
0x11: {  	[smem:$0x3FB8] =	sst s9;
	s0 =	simm.s32 @!p0 $0x0  }
0x12: {  	s1 =	sld [smem:$0x3F9E];
	s0 =	simm.s32 @p0 $0x1  }
0x13: {  	[smem:$0x3FB9] =	sst s0;
	s0 =	simm.s32 @!p1 $0x0  }
0x14: {  	s2 =	sld [smem:$0x3F9D];
	s0 =	simm.s32 @p1 $0x1  }
0x15: {  	[smem:$0x3FBA] =	sst s0;
	s0 =	simm.s32 @!p2 $0x0  }
0x16: {  	s3 =	sld [smem:$0x3FDB];
	s0 =	simm.s32 @p2 $0x1  }
0x17: {  	s4 =	simm.s32 $0x1BF5;
	[smem:$0x3FBC] =	sst s0  }
0x18: {  	s0 =	sld [smem:$0x3F9F];
	_ =	swait.ge [sflag:s4], $0x0  }
0x19: {  	s7 =	sld [smem:$0x3FA0]  }
0x1a: {  	s8 =	sadd.s32 $0xFFFFE003, lr  }
0x1b: {  	s9 =	sadd.s32 $0xFFFFFEF7, lr;
	s5 =	simm.s32 $0xFFFFFFFF;
	p2 =	slt.u32 s8, $0xFFFFF086  }
0x1c: {  	p1 =	slt.u32 s9, $0xF7A;
	s5 =	simm.s32 @!p2 $0x0  }
0x1d: {  	s5 =	simm.s32 @p1 $0x1;
	p0 =	seq.s32 s7, s2  }
0x1e: {  	s7 =	smul.u32 @!p0 $0xF7A, s2;
	p2 =	seq.s32 @!p0 s5, $0x0  }
0x1f: {  	s9 =	smul.u32 $0xF7A, s1;
	s8 =	simm.s32 @!p0 $0x1BF5;
	p2 =	por !p2, p0  }
0x20: {  	[sflag:s8] =	ssyncset.s32 @!p0 $0xFFFFF086;
	s6 =	sadd.s32 @!p0 s3, s7;
	s7 =	simm.s32 @!p0 $0x108  }
0x21: {  	s3 =	sadd.s32 s3, s9;
	s6 =	sadd.s32 @!p0 $0x88, s6;
	s7 =	simm.s32 @p2 $0x1082  }
0x22: {  	[simem:s7], [sflag:s8] =	dma.local @!p0 [hbm:s6], $0xF7A  }
0x23: {  	s9 =	sor.u32 $0xD0000000, s2;
	s6 =	simm.s32 $0x108;
	_ =	swait.ge @!p0 [sflag:s8], $0x0  }
0x24: {  	s3 =	sadd.s32 $0x88, s3;
	s6 =	simm.s32 @!p1 $0x1082;
	[sflag:s4] =	ssyncset.s32 $0xFFFFF086  }
0x25: {  	[simem:s6], [sflag:s4] =	dma.local [hbm:s3], $0xF7A  }
0x26: {  	[smem:$0x3FA0] =	sst s1;
	(tag) =	ssettag s2;
	_ =	strace s9  }
0x27: {  	s1 =	sld [smem:$0x3FB0]  }
0x28: {  	s2 =	sld [smem:$0x3FB1]  }
0x29: {  	s4 =	sld [smem:$0x3FB3]  }
0x2a: {  	p0 =	seq.s32 s5, $0x0;
	s5 =	sld [smem:$0x3FB4]  }
0x2b: {  	s6 =	sld [smem:$0x3FB5]  }
0x2c: {  	s7 =	sld [smem:$0x3FB6]  }
0x2d: {  	s3 =	simm.s32 $0x108;
	s8 =	sld [smem:$0x3FB7]  }
0x2e: {  	s3 =	simm.s32 @!p0 $0x1082;
	s9 =	sld [smem:$0x3FB8]  }
0x2f: {  	lr =	sadd.s32 s0, s3;
	s0 =	sld [smem:$0x3FAF]  }
0x30: {  	s3 =	sld [smem:$0x3FB2]  }
0x31: {  	[smem:$0x3FBB] =	sst s10  }
0x32: {  	s10 =	sld [smem:$0x3FB9];
	_ =	sdelay $0x3  }
0x33: {  	p0 =	seq.s32 s10, $0x1;
	s10 =	sld [smem:$0x3FBB];
	_ =	sdelay $0x3  }
0x34: {  	[smem:$0x3FBB] =	sst s10  }
0x35: {  	s10 =	sld [smem:$0x3FBA];
	_ =	sdelay $0x3  }
0x36: {  	p1 =	seq.s32 s10, $0x1;
	s10 =	sld [smem:$0x3FBB];
	_ =	sdelay $0x3  }
0x37: {  	[smem:$0x3FBB] =	sst s10  }
0x38: {  	s10 =	sld [smem:$0x3FBC]  }
0x39: {  	_ = 	snop;
	(pc) =	sbr.ind lr, $3  }
0x3a: {  	_ = 	snop  }
0x3b: {  	_ = 	snop  }
0x3c: {  	p2 =	seq.s32 s10, $0x1;
	s10 =	sld [smem:$0x3FBB]  }
0x3d: {  	_ =	shalt  }
0x3e: {  	_ =	shalt  }
0x3f: {  	_ =	shalt  }
0x40: {  	_ =	shalt  }
0x41: {  	_ =	shalt  }
0x42: {  	_ =	shalt  }
0x43: {  	_ =	shalt  }
0x44: {  	_ =	shalt  }
0x45: {  	_ =	shalt  }
0x46: {  	_ =	shalt  }
0x47: {  	_ =	shalt  }
0x48: {  	_ =	shalt  }
0x49: {  	_ =	shalt  }
0x4a: {  	_ =	shalt  }
0x4b: {  	_ =	shalt  }
0x4c: {  	_ =	shalt  }
0x4d: {  	_ =	shalt  }
0x4e: {  	_ =	shalt  }
0x4f: {  	_ =	shalt  }
0x50: {  	_ =	shalt  }
0x51: {  	_ =	shalt  }
0x52: {  	_ =	shalt  }
0x53: {  	_ =	shalt  }
0x54: {  	_ =	shalt  }
0x55: {  	_ =	shalt  }
0x56: {  	_ =	shalt  }
0x57: {  	_ =	shalt  }
0x58: {  	_ =	shalt  }
0x59: {  	_ =	shalt  }
0x5a: {  	_ =	shalt  }
0x5b: {  	_ =	shalt  }
0x5c: {  	_ =	shalt  }
0x5d: {  	_ =	shalt  }
0x5e: {  	_ =	shalt  }
0x5f: {  	_ =	shalt  }
0x60: {  	_ =	shalt  }
0x61: {  	_ =	shalt  }
0x62: {  	_ =	shalt  }
0x63: {  	_ =	shalt  }
0x64: {  	_ =	shalt  }
0x65: {  	_ =	shalt  }
0x66: {  	_ =	shalt  }
0x67: {  	_ =	shalt  }
0x68: {  	_ =	shalt  }
0x69: {  	_ =	shalt  }
0x6a: {  	_ =	shalt  }
0x6b: {  	_ =	shalt  }
0x6c: {  	_ =	shalt  }
0x6d: {  	_ =	shalt  }
0x6e: {  	_ =	shalt  }
0x6f: {  	_ =	shalt  }
0x70: {  	_ =	shalt  }
0x71: {  	_ =	shalt  }
0x72: {  	_ =	shalt  }
0x73: {  	_ =	shalt  }
0x74: {  	_ =	shalt  }
0x75: {  	_ =	shalt  }
0x76: {  	_ =	shalt  }
0x77: {  	_ =	shalt  }
0x78: {  	_ =	shalt  }
0x79: {  	_ =	shalt  }
0x7a: {  	_ =	shalt  }
0x7b: {  	_ =	shalt  }
0x7c: {  	_ =	shalt  }
0x7d: {  	_ =	shalt  }
0x7e: {  	_ =	shalt  }
0x7f: {  	_ =	shalt  }
0x80: {  	_ =	shalt  }
0x81: {  	_ =	shalt  }
0x82: {  	_ =	shalt  }
0x83: {  	_ =	shalt  }
0x84: {  	_ =	shalt  }
0x85: {  	_ =	shalt  }
0x86: {  	_ =	shalt  }
0x87: {  	_ =	shalt  }
.Lfunc_end0:
.L_simem_size_0:
called_computation_lowered:
.L_overlay_start_0:
0x88: {  	s2 =	sld [smem:$0x3FD9]  }
0x89: {  	s3 =	sld [smem:$0x3FFE];
	_ =	sdelay $0x1  }
0x8a: {  	s1 =	srdreg.scid  }
0x8b: {  	s0 =	sand.u32 $0x1, s1  }
0x8c: {  	s17 =	sshll.u32 s0, $0xA;
	s2 =	sadd.s32 s3, s2  }
0x8d: {  	s2 =	sadd.s32 s2, s17  }
0x8e: {  	[smem:$0x3FC7] =	sst s2  }
0x8f: {  	_ = 	snop  }
0x90: {  	s2 =	sld [smem:$0x3FD0];
	(tm) =	ssettm $0x1  }
0x91: {  	s18 =	sld [smem:$0x3FFB];
	_ =	sdelay $0x3  }
0x92: {  	_ =	strace s18  }
0x93: {  	s3 =	sld [smem:$0x3FFC];
	_ =	sdelay $0x3  }
0x94: {  	_ =	strace s3  }
0x95: {  	s3 =	sld [smem:$0x3FFD];
	_ =	sdelay $0x3  }
0x96: {  	_ =	strace s3  }
0x97: {  	_ =	strace $0x8FFFFFFF  }
0x98: {  	s19 =	sld [smem:$0x3FDB];
	_ =	sdelay $0x1  }
0x99: {  	s4 =	simm.s32 $_scs_section_size  }
0x9a: {  	s5 =	simm.s32 $_size__tile_overlayer_lowered;
	s6 =	simm.s32 $_tile_overlayer_lowered  }
0x9b: {  	s22 =	simm.s32 $0x1BFF;
	s21 =	sshll.u32 s6, $0x1;
	s3 =	sadd.s32 s4, s19  }
0x9c: {  	s7 =	simm.s32 $0x0;
	s20 =	sshll.u32 s5, $0x1;
	s5 =	sadd.s32 s21, s3  }
0x9d: {  	[timem:s7], [sflag:s22] =	dma.local [hbm:s5], s20  }
0x9e: {  	_ =	swait.ge [sflag:s22], s20  }
0x9f: {  	s4 =	ssub.s32 $0x0, s20;
	[sflag:s22] =	ssyncset.done $0x0  }
0xa0: {  	[sflag:s22] =	ssyncadd.s32 s4;
	_ =	sdelay $0x1  }
0xa1: {  	s23 =	simm.s32 $0x1B8B  }
0xa2: {  	_ =	swait.ge [sflag:s23], $0x1  }
0xa3: {  	[sflag:s23] =	ssyncset.done $0x0  }
0xa4: {  	s25 =	simm.s32 $0x1B8E;
	s24 =	sld [smem:$0x3FFE];
	[sflag:s23] =	ssyncadd.s32 $0xFFFFFFFF  }
0xa5: {  	s26 =	simm.s32 $execute0_lowered;
	[smem:$0x3FD2] =	sst s25  }
0xa6: {  	s5 =	sshll.u32 s26, $0x1;
	_ =	strace $0x80000046;
	[dreg:$0x1] =	wrdreg $0xFFFFFFFF  }
0xa7: {  	s28 =	simm.s32 $_size_execute0_lowered;
	s3 =	sadd.s32 s3, s5;
	[dreg:$0x0] =	wrdreg $0x0  }
0xa8: {  	s5 =	sshll.u32 s28, $0x1;
	[dreg:$0x2] =	wrdreg s3  }
0xa9: {  	[dreg:$0x3] =	wrdreg s5  }
0xaa: {  	[dreg:$0x4] =	wrdreg $0xC0  }
0xab: {  	_ =	task [dreg:s7], $0x5FFFF  }
0xac: {  	[dreg:$0x1] =	wrdreg $0xFFFFFFFF  }
0xad: {  	[dreg:$0x0] =	wrdreg $0x60  }
0xae: {  	[dreg:$0x2] =	wrdreg s24  }
0xaf: {  	[dreg:$0x3] =	wrdreg s2  }
0xb0: {  	[dreg:$0x4] =	wrdreg $0x9  }
0xb1: {  	_ =	task.clear_ibuf [dreg:s7], $0x5FFFF;
	_ =	strace $0x90000046  }
0xb2: {  	s29 =	simm.s32 $0x9;
	_ =	strace $0x80000048  }
0xb3: {  	_ =	swait.ge [sflag:s29], $0x1  }
0xb4: {  	[sflag:s29] =	ssyncadd.s32 $0xFFFFFFFF  }
0xb5: {  	_ =	strace $0x90000048  }
0xb6: {  	_ =	sfence  }
0xb7: {  	s30 =	sld [smem:$0x0];
	_ =	sdelay $0x2  }
0xb8: {  	s31 =	sshll.u32 s1, $0xD;
	s1 =	sshrl.u32 s1, $0x2  }
0xb9: {  	s3 =	sand.u32 $0x4000, s31;
	s1 =	sadd.s32 s1, s30  }
0xba: {  	s0 =	sor.u32 s3, s0;
	s1 =	sshll.u32 s1, $0x11  }
0xbb: {  	s0 =	sor.u32 s1, s0  }
0xbc: {  	s0 =	sadd.s32 $0x8F2B, s0  }
0xbd: {  	[sflag:s0] =	ssyncadd.remote.s32 $0x1  }
0xbe: {  	_ =	sfence.sel $0xFFFF  }
0xbf: {  	[dreg:$0x0] =	wrdreg $0xFFFFFFFF;
	(pc) =	sbr.abs _section_cstart, $3  }
0xc0: {  	[dreg:$0x1] =	wrdreg $0xFFFFFFFF  }
0xc1: {  	_ =	task.clear_ibuf [dreg:s7], $0x2FFFF;
	_ =	strace $0x9FFFFFFF  }
0xc2: {  	(tm) =	ssettm $0x7FFFFFFF  }
0xc3: {  	_ =	shalt  }
tec
execute0_lowered:
.L_overlay_start_1:
0x0: {  	(tag) =	ssettag $0x1  }
0x1: {  	s4 =	rddreg [dreg:$0x0]  }
0x2: {  	s12 =	rddreg [dreg:$0x1]  }
0x3: {  	s0 =	rddreg [dreg:$0x2];
	s2 =	simm.s32 $0x0  }
0x4: {  	s3 =	srdreg.scid;
	s1 =	stileid.u32;
	s17 =	simm.s32 $0x14000  }
0x5: {  	s18 =	simm.s32 $0x0;
	[smem:$0x7FF] =	sst s2;
	s5 =	sand.u32 $0x1, s3  }
0x6: {  	s6 =	sshll.u32 s1, $0x1;
	s11 =	sadd.s32 $0x1000600, s4;
	s3 =	sadd.s32 $0x600, s4  }
0x7: {  	s4 =	sadd.s32 $0x800, s4;
	s6 =	sor.u32 s5, s6;
	s5 =	ssub.s32 $0x2, s5  }
0x8: {  	_ =	strace $0x80000047;
	s7 =	sshll.u32 s6, $0xF;
	s8 =	sshrl.u32 s5, $0x1  }
0x9: {  	s9 =	smul.u32 $0xA000, s6;
	s6 =	sshll.u32 s6, $0xC;
	s10 =	sor.u32 $0x2000, s7  }
0xa: {  	s13 =	ssub.s32 s5, s8;
	s14 =	sor.u32 $0x4000, s7;
	s28 =	smul.u32 $0xA, s10  }
0xb: {  	s6 =	sadd.s32 s12, s6;
	s15 =	sor.u32 $0x6000, s7;
	s29 =	smul.u32 $0xA, s14  }
0xc: {  	s5 =	sadd.s32 s11, s9;
	s10 =	sshrl.u32 s10, $0x3;
	s16 =	smul.u32 $0xA, s15  }
0xd: {  	s30 =	sshrl.u32 s14, $0x3;
	s15 =	sshrl.u32 s15, $0x3;
	s13 =	smax.u32 s13, $0x1  }
0xe: {  	s14 =	simm.s32 $0x16000;
	s8 =	sshrl.u32 s28, $0x3;
	s9 =	sshrl.u32 s29, $0x3  }
0xf: {  	s31 =	sshrl.u32 s16, $0x3;
	s16 =	simm.s32 $0x16080;
	s7 =	sadd.s32 s11, s8  }
0x10: {  	v0 =	vlaneseq.u32;
	s8 =	sadd.s32 s12, s10;
	s9 =	sadd.s32 s11, s9;
	s10 =	sadd.s32 s12, s30  }
0x11: {  	v0 =	vmul.u32 $0xA, v0;
	s11 =	sadd.s32 s11, s31;
	s12 =	sadd.s32 s12, s15;
	s15 =	simm.s32 $0x1  }
.LBB2_1:
0x12: {  	[tilespmem:s14], [sflag:$0x1] =	stream.linear.gather [hbm4b:s3+s2], $0x80, $0x38;
	[tilespmem:$0x16100] =	vst v63  }
0x13: {  	_ =	swait.ge [sflag:s15], $0x80  }
0x14: {  	[sflag:s15] =	ssyncset.done $0x0  }
0x15: {  	[sflag:s15] =	ssyncadd.s32 $0xFFFFFF80  }
0x16: {  	[tilespmem:s16], [sflag:$0x1] =	stream.linear.gather [hbm4b:s4+s2], $0x80, $0x38;
	[tilespmem:$0x16100] =	vst v63  }
0x17: {  	_ =	swait.ge [sflag:s15], $0x80  }
0x18: {  	[sflag:s15] =	ssyncset.done $0x0  }
0x19: {  	[sflag:s15] =	ssyncadd.s32 $0xFFFFFF80  }
0x1a: {  	[tilespmem:s2], [sflag:$0x1] =	stream.linear.gather [hbm4b:s5+s2], $0x14000, $0x38;
	[tilespmem:$0x16100] =	vst v63  }
0x1b: {  	_ =	swait.ge [sflag:s15], $0x14000  }
0x1c: {  	[sflag:s15] =	ssyncset.done $0x0  }
0x1d: {  	v1 =	vmov s2;
	[sflag:s15] =	ssyncadd.s32 $0xFFFEC000  }
0x1e: {  	v1 =	vmul.u32 $0xA, v1;
	v2 =	vld [tilespmem:$0x16080]  }
0x1f: {  	v3 =	vld [tilespmem:$0x16090]  }
0x20: {  	v1 =	vbroadcast v1, $0x0  }
0x21: {  	v4 =	vld [tilespmem:$0x160A0]  }
0x22: {  	v1 =	vadd.s32 v0, v1  }
0x23: {  	v5 =	vld [tilespmem:$0x160B0];
	v2 =	vadd.s32 v1, v2  }
0x24: {  	v3 =	vadd.s32 v1, v3;
	_ =	sdelay $0x1  }
0x25: {  	v6 =	vld [tilespmem:$0x16000];
	v4 =	vadd.s32 v1, v4  }
0x26: {  	v63 =	vld [tilespmem:$0x16010]  }
0x27: {  	v1 =	vadd.s32 v1, v5;
	v2 =	vld.idx.msk [tilespmem:v2+s2+$0x0], $0xffff  }
0x28: {  	v3 =	vld.idx.msk [tilespmem:v3+s2+$0x0], $0xffff  }
0x29: {  	v7 =	vld [tilespmem:$0x16020]  }
0x2a: {  	v4 =	vld.idx.msk [tilespmem:v4+s2+$0x0], $0xffff  }
0x2b: {  	v8 =	vld [tilespmem:$0x16030]  }
0x2c: {  	v1 =	vld.idx.msk [tilespmem:v1+s2+$0x0], $0xffff  }
0x2d: {  	v2 =	vmul.f32 v6, v2;
	v3 =	vmul.f32 v63, v3;
	_ =	sdelay $0x1  }
0x2e: {  	v2 =	vadd.f32 v3, v2;
	v3 =	vmul.f32 v7, v4;
	_ =	sdelay $0x1  }
0x2f: {  	v1 =	vmul.f32 v8, v1;
	v2 =	vadd.f32 v3, v2;
	_ =	sdelay $0x1  }
0x30: {  	v1 =	vadd.f32 v1, v2  }
0x31: {  	s19 =	simm.s32 $0x10  }
0x32: {  	v2 =	vmov s19;
	[tilespmem:s17+$0x0] =	vst v1  }
0x33: {  	s20 =	simm.s32 $0x20;
	s19 =	simm.s32 $0x14000;
	v2 =	vmul.u32 $0xA, v2;
	v1 =	vld [tilespmem:$0x16080]  }
.LBB2_2:
0x34: {  	p0 =	sne.s32 s20, $0x1FF0;
	v3 =	vld [tilespmem:$0x16090]  }
0x35: {  	v2 =	vbroadcast v2, $0x0  }
0x36: {  	v4 =	vld [tilespmem:$0x160A0]  }
0x37: {  	v2 =	vadd.s32 v0, v2  }
0x38: {  	v1 =	vadd.s32 v2, v1;
	v5 =	vld [tilespmem:$0x160B0]  }
0x39: {  	v3 =	vadd.s32 v2, v3;
	_ =	sdelay $0x1  }
0x3a: {  	v4 =	vadd.s32 v2, v4  }
0x3b: {  	v6 =	vld [tilespmem:$0x16000]  }
0x3c: {  	v1 =	vld.idx.msk [tilespmem:v1+s2+$0x0], $0xffff;
	v2 =	vadd.s32 v2, v5  }
0x3d: {  	v3 =	vld.idx.msk [tilespmem:v3+s2+$0x0], $0xffff  }
0x3e: {  	v5 =	vld [tilespmem:$0x16010]  }
0x3f: {  	v4 =	vld.idx.msk [tilespmem:v4+s2+$0x0], $0xffff  }
0x40: {  	v7 =	vld [tilespmem:$0x16020]  }
0x41: {  	v2 =	vld.idx.msk [tilespmem:v2+s2+$0x0], $0xffff  }
0x42: {  	v8 =	vld [tilespmem:$0x16030]  }
0x43: {  	v1 =	vmul.f32 v6, v1;
	v3 =	vmul.f32 v5, v3;
	_ =	sdelay $0x1  }
0x44: {  	v1 =	vadd.f32 v3, v1;
	v3 =	vmul.f32 v7, v4;
	_ =	sdelay $0x1  }
0x45: {  	v1 =	vadd.f32 v3, v1;
	v2 =	vmul.f32 v8, v2  }
.Ltmp0:
0x46: {  	(pc) =	sbr.rel @p0 .LBB2_2-.Ltmp0, $4  }
0x47: {  	v1 =	vadd.f32 v2, v1  }
0x48: {  	s19 =	sadd.s32 $0x10, s19  }
0x49: {  	v2 =	vmov s20;
	[tilespmem:s19+$0x0] =	vst v1  }
0x4a: {  	s20 =	sadd.s32 $0x10, s20;
	v2 =	vmul.u32 $0xA, v2;
	v1 =	vld [tilespmem:$0x16080]  }
0x4b: {  	v3 =	vld [tilespmem:$0x16090]  }
0x4c: {  	v2 =	vbroadcast v2, $0x0  }
0x4d: {  	v4 =	vld [tilespmem:$0x160A0]  }
0x4e: {  	v2 =	vadd.s32 v0, v2  }
0x4f: {  	v5 =	vld [tilespmem:$0x160B0];
	v1 =	vadd.s32 v2, v1  }
0x50: {  	v3 =	vadd.s32 v2, v3;
	_ =	sdelay $0x1  }
0x51: {  	v6 =	vld [tilespmem:$0x16000];
	v4 =	vadd.s32 v2, v4  }
0x52: {  	v57 =	vld [tilespmem:$0x16010]  }
0x53: {  	v2 =	vadd.s32 v2, v5;
	v1 =	vld.idx.msk [tilespmem:v1+s2+$0x0], $0xffff  }
0x54: {  	v3 =	vld.idx.msk [tilespmem:v3+s2+$0x0], $0xffff  }
0x55: {  	v7 =	vld [tilespmem:$0x16020]  }
0x56: {  	v4 =	vld.idx.msk [tilespmem:v4+s2+$0x0], $0xffff  }
0x57: {  	v8 =	vld [tilespmem:$0x16030]  }
0x58: {  	v2 =	vld.idx.msk [tilespmem:v2+s2+$0x0], $0xffff  }
0x59: {  	v1 =	vmul.f32 v6, v1;
	v3 =	vmul.f32 v57, v3;
	_ =	sdelay $0x1  }
0x5a: {  	v1 =	vadd.f32 v3, v1;
	v3 =	vmul.f32 v7, v4;
	_ =	sdelay $0x1  }
0x5b: {  	v2 =	vmul.f32 v8, v2;
	v1 =	vadd.f32 v3, v1;
	_ =	sdelay $0x1  }
0x5c: {  	v1 =	vadd.f32 v2, v1  }
0x5d: {  	s19 =	sadd.s32 $0x10, s19  }
0x5e: {  	s20 =	simm.s32 $0x0;
	[tilespmem:s19+$0x0] =	vst v1;
	s19 =	simm.s32 $0x14000  }
0x5f: {  	[hbm4b:s6+s20] =	stream.linear.scatter [tilespmem:s19], [sflag:$0x1], $0x2000, $0x38;
	[tilespmem:$0x16100] =	vst v63  }
0x60: {  	_ =	swait.ge [sflag:s15], $0x2000  }
0x61: {  	[sflag:s15] =	ssyncset.done $0x0  }
0x62: {  	[sflag:s15] =	ssyncadd.s32 $0xFFFFE000  }
0x63: {  	[tilespmem:s20], [sflag:$0x1] =	stream.linear.gather [hbm4b:s7+s20], $0x14000, $0x38;
	[tilespmem:$0x16100] =	vst v63  }
0x64: {  	_ =	swait.ge [sflag:s15], $0x14000  }
0x65: {  	[sflag:s15] =	ssyncset.done $0x0  }
0x66: {  	v1 =	vmov s20;
	[sflag:s15] =	ssyncadd.s32 $0xFFFEC000  }
0x67: {  	v1 =	vmul.u32 $0xA, v1;
	v2 =	vld [tilespmem:$0x16080]  }
0x68: {  	v3 =	vld [tilespmem:$0x16090]  }
0x69: {  	v1 =	vbroadcast v1, $0x0  }
0x6a: {  	v58 =	vld [tilespmem:$0x160A0]  }
0x6b: {  	v1 =	vadd.s32 v0, v1  }
0x6c: {  	v59 =	vld [tilespmem:$0x160B0];
	v2 =	vadd.s32 v1, v2  }
0x6d: {  	v3 =	vadd.s32 v1, v3;
	_ =	sdelay $0x1  }
0x6e: {  	v60 =	vld [tilespmem:$0x16000];
	v4 =	vadd.s32 v1, v58  }
0x6f: {  	v61 =	vld [tilespmem:$0x16010]  }
0x70: {  	v1 =	vadd.s32 v1, v59;
	v2 =	vld.idx.msk [tilespmem:v2+s2+$0x0], $0xffff  }
0x71: {  	v3 =	vld.idx.msk [tilespmem:v3+s2+$0x0], $0xffff  }
0x72: {  	v62 =	vld [tilespmem:$0x16020]  }
0x73: {  	v4 =	vld.idx.msk [tilespmem:v4+s2+$0x0], $0xffff  }
0x74: {  	v63 =	vld [tilespmem:$0x16030]  }
0x75: {  	v1 =	vld.idx.msk [tilespmem:v1+s2+$0x0], $0xffff  }
0x76: {  	v2 =	vmul.f32 v60, v2;
	v3 =	vmul.f32 v61, v3;
	_ =	sdelay $0x1  }
0x77: {  	v2 =	vadd.f32 v3, v2;
	v3 =	vmul.f32 v62, v4;
	_ =	sdelay $0x1  }
0x78: {  	v1 =	vmul.f32 v63, v1;
	v2 =	vadd.f32 v3, v2;
	_ =	sdelay $0x1  }
0x79: {  	v1 =	vadd.f32 v1, v2  }
0x7a: {  	s31 =	simm.s32 $0x10  }
0x7b: {  	v2 =	vmov s31;
	[tilespmem:s19+$0x0] =	vst v1  }
0x7c: {  	s20 =	simm.s32 $0x20;
	v2 =	vmul.u32 $0xA, v2;
	v1 =	vld [tilespmem:$0x16080]  }
.LBB2_4:
0x7d: {  	p0 =	sne.s32 s20, $0x1FF0;
	v3 =	vld [tilespmem:$0x16090]  }
0x7e: {  	v2 =	vbroadcast v2, $0x0  }
0x7f: {  	v4 =	vld [tilespmem:$0x160A0]  }
0x80: {  	v2 =	vadd.s32 v0, v2  }
0x81: {  	v1 =	vadd.s32 v2, v1;
	v5 =	vld [tilespmem:$0x160B0]  }
0x82: {  	v3 =	vadd.s32 v2, v3;
	_ =	sdelay $0x1  }
0x83: {  	v4 =	vadd.s32 v2, v4  }
0x84: {  	v6 =	vld [tilespmem:$0x16000]  }
0x85: {  	v1 =	vld.idx.msk [tilespmem:v1+s2+$0x0], $0xffff;
	v2 =	vadd.s32 v2, v5  }
0x86: {  	v3 =	vld.idx.msk [tilespmem:v3+s2+$0x0], $0xffff  }
0x87: {  	v5 =	vld [tilespmem:$0x16010]  }
0x88: {  	v4 =	vld.idx.msk [tilespmem:v4+s2+$0x0], $0xffff  }
0x89: {  	v7 =	vld [tilespmem:$0x16020]  }
0x8a: {  	v2 =	vld.idx.msk [tilespmem:v2+s2+$0x0], $0xffff  }
0x8b: {  	v8 =	vld [tilespmem:$0x16030]  }
0x8c: {  	v1 =	vmul.f32 v6, v1;
	v3 =	vmul.f32 v5, v3;
	_ =	sdelay $0x1  }
0x8d: {  	v1 =	vadd.f32 v3, v1;
	v3 =	vmul.f32 v7, v4;
	_ =	sdelay $0x1  }
0x8e: {  	v1 =	vadd.f32 v3, v1;
	v2 =	vmul.f32 v8, v2  }
.Ltmp1:
0x8f: {  	(pc) =	sbr.rel @p0 .LBB2_4-.Ltmp1, $4  }
0x90: {  	v1 =	vadd.f32 v2, v1  }
0x91: {  	s19 =	sadd.s32 $0x10, s19  }
0x92: {  	v2 =	vmov s20;
	[tilespmem:s19+$0x0] =	vst v1  }
0x93: {  	s20 =	sadd.s32 $0x10, s20;
	v2 =	vmul.u32 $0xA, v2;
	v1 =	vld [tilespmem:$0x16080]  }
0x94: {  	v3 =	vld [tilespmem:$0x16090]  }
0x95: {  	v2 =	vbroadcast v2, $0x0  }
0x96: {  	v4 =	vld [tilespmem:$0x160A0]  }
0x97: {  	v2 =	vadd.s32 v0, v2  }
0x98: {  	v5 =	vld [tilespmem:$0x160B0];
	v1 =	vadd.s32 v2, v1  }
0x99: {  	v3 =	vadd.s32 v2, v3;
	_ =	sdelay $0x1  }
0x9a: {  	v6 =	vld [tilespmem:$0x16000];
	v4 =	vadd.s32 v2, v4  }
0x9b: {  	v57 =	vld [tilespmem:$0x16010]  }
0x9c: {  	v2 =	vadd.s32 v2, v5;
	v1 =	vld.idx.msk [tilespmem:v1+s2+$0x0], $0xffff  }
0x9d: {  	v3 =	vld.idx.msk [tilespmem:v3+s2+$0x0], $0xffff  }
0x9e: {  	v7 =	vld [tilespmem:$0x16020]  }
0x9f: {  	v4 =	vld.idx.msk [tilespmem:v4+s2+$0x0], $0xffff  }
0xa0: {  	v8 =	vld [tilespmem:$0x16030]  }
0xa1: {  	v2 =	vld.idx.msk [tilespmem:v2+s2+$0x0], $0xffff  }
0xa2: {  	v1 =	vmul.f32 v6, v1;
	v3 =	vmul.f32 v57, v3;
	_ =	sdelay $0x1  }
0xa3: {  	v1 =	vadd.f32 v3, v1;
	v3 =	vmul.f32 v7, v4;
	_ =	sdelay $0x1  }
0xa4: {  	v2 =	vmul.f32 v8, v2;
	v1 =	vadd.f32 v3, v1;
	_ =	sdelay $0x1  }
0xa5: {  	v1 =	vadd.f32 v2, v1  }
0xa6: {  	s19 =	sadd.s32 $0x10, s19  }
0xa7: {  	s20 =	simm.s32 $0x0;
	[tilespmem:s19+$0x0] =	vst v1;
	s19 =	simm.s32 $0x14000  }
0xa8: {  	[hbm4b:s8+s20] =	stream.linear.scatter [tilespmem:s19], [sflag:$0x1], $0x2000, $0x38;
	[tilespmem:$0x16100] =	vst v63  }
0xa9: {  	_ =	swait.ge [sflag:s15], $0x2000  }
0xaa: {  	[sflag:s15] =	ssyncset.done $0x0  }
0xab: {  	[sflag:s15] =	ssyncadd.s32 $0xFFFFE000  }
0xac: {  	[tilespmem:s20], [sflag:$0x1] =	stream.linear.gather [hbm4b:s9+s20], $0x14000, $0x38;
	[tilespmem:$0x16100] =	vst v63  }
0xad: {  	_ =	swait.ge [sflag:s15], $0x14000  }
0xae: {  	[sflag:s15] =	ssyncset.done $0x0  }
0xaf: {  	v1 =	vmov s20;
	[sflag:s15] =	ssyncadd.s32 $0xFFFEC000  }
0xb0: {  	v1 =	vmul.u32 $0xA, v1;
	v2 =	vld [tilespmem:$0x16080]  }
0xb1: {  	v3 =	vld [tilespmem:$0x16090]  }
0xb2: {  	v1 =	vbroadcast v1, $0x0  }
0xb3: {  	v58 =	vld [tilespmem:$0x160A0]  }
0xb4: {  	v1 =	vadd.s32 v0, v1  }
0xb5: {  	v59 =	vld [tilespmem:$0x160B0];
	v2 =	vadd.s32 v1, v2  }
0xb6: {  	v3 =	vadd.s32 v1, v3;
	_ =	sdelay $0x1  }
0xb7: {  	v60 =	vld [tilespmem:$0x16000];
	v4 =	vadd.s32 v1, v58  }
0xb8: {  	v61 =	vld [tilespmem:$0x16010]  }
0xb9: {  	v1 =	vadd.s32 v1, v59;
	v2 =	vld.idx.msk [tilespmem:v2+s2+$0x0], $0xffff  }
0xba: {  	v3 =	vld.idx.msk [tilespmem:v3+s2+$0x0], $0xffff  }
0xbb: {  	v62 =	vld [tilespmem:$0x16020]  }
0xbc: {  	v4 =	vld.idx.msk [tilespmem:v4+s2+$0x0], $0xffff  }
0xbd: {  	v63 =	vld [tilespmem:$0x16030]  }
0xbe: {  	v1 =	vld.idx.msk [tilespmem:v1+s2+$0x0], $0xffff  }
0xbf: {  	v2 =	vmul.f32 v60, v2;
	v3 =	vmul.f32 v61, v3;
	_ =	sdelay $0x1  }
0xc0: {  	v2 =	vadd.f32 v3, v2;
	v3 =	vmul.f32 v62, v4;
	_ =	sdelay $0x1  }
0xc1: {  	v1 =	vmul.f32 v63, v1;
	v2 =	vadd.f32 v3, v2;
	_ =	sdelay $0x1  }
0xc2: {  	v1 =	vadd.f32 v1, v2  }
0xc3: {  	s31 =	simm.s32 $0x10  }
0xc4: {  	v2 =	vmov s31;
	[tilespmem:s19+$0x0] =	vst v1  }
0xc5: {  	s20 =	simm.s32 $0x20;
	v2 =	vmul.u32 $0xA, v2;
	v1 =	vld [tilespmem:$0x16080]  }
.LBB2_6:
0xc6: {  	p0 =	sne.s32 s20, $0x1FF0;
	v3 =	vld [tilespmem:$0x16090]  }
0xc7: {  	v2 =	vbroadcast v2, $0x0  }
0xc8: {  	v4 =	vld [tilespmem:$0x160A0]  }
0xc9: {  	v2 =	vadd.s32 v0, v2  }
0xca: {  	v1 =	vadd.s32 v2, v1;
	v5 =	vld [tilespmem:$0x160B0]  }
0xcb: {  	v3 =	vadd.s32 v2, v3;
	_ =	sdelay $0x1  }
0xcc: {  	v4 =	vadd.s32 v2, v4  }
0xcd: {  	v6 =	vld [tilespmem:$0x16000]  }
0xce: {  	v1 =	vld.idx.msk [tilespmem:v1+s2+$0x0], $0xffff;
	v2 =	vadd.s32 v2, v5  }
0xcf: {  	v3 =	vld.idx.msk [tilespmem:v3+s2+$0x0], $0xffff  }
0xd0: {  	v5 =	vld [tilespmem:$0x16010]  }
0xd1: {  	v4 =	vld.idx.msk [tilespmem:v4+s2+$0x0], $0xffff  }
0xd2: {  	v7 =	vld [tilespmem:$0x16020]  }
0xd3: {  	v2 =	vld.idx.msk [tilespmem:v2+s2+$0x0], $0xffff  }
0xd4: {  	v8 =	vld [tilespmem:$0x16030]  }
0xd5: {  	v1 =	vmul.f32 v6, v1;
	v3 =	vmul.f32 v5, v3;
	_ =	sdelay $0x1  }
0xd6: {  	v1 =	vadd.f32 v3, v1;
	v3 =	vmul.f32 v7, v4;
	_ =	sdelay $0x1  }
0xd7: {  	v1 =	vadd.f32 v3, v1;
	v2 =	vmul.f32 v8, v2  }
.Ltmp2:
0xd8: {  	(pc) =	sbr.rel @p0 .LBB2_6-.Ltmp2, $4  }
0xd9: {  	v1 =	vadd.f32 v2, v1  }
0xda: {  	s19 =	sadd.s32 $0x10, s19  }
0xdb: {  	v2 =	vmov s20;
	[tilespmem:s19+$0x0] =	vst v1  }
0xdc: {  	s20 =	sadd.s32 $0x10, s20;
	v2 =	vmul.u32 $0xA, v2;
	v1 =	vld [tilespmem:$0x16080]  }
0xdd: {  	v3 =	vld [tilespmem:$0x16090]  }
0xde: {  	v2 =	vbroadcast v2, $0x0  }
0xdf: {  	v4 =	vld [tilespmem:$0x160A0]  }
0xe0: {  	v2 =	vadd.s32 v0, v2  }
0xe1: {  	v5 =	vld [tilespmem:$0x160B0];
	v1 =	vadd.s32 v2, v1  }
0xe2: {  	v3 =	vadd.s32 v2, v3;
	_ =	sdelay $0x1  }
0xe3: {  	v6 =	vld [tilespmem:$0x16000];
	v4 =	vadd.s32 v2, v4  }
0xe4: {  	v57 =	vld [tilespmem:$0x16010]  }
0xe5: {  	v2 =	vadd.s32 v2, v5;
	v1 =	vld.idx.msk [tilespmem:v1+s2+$0x0], $0xffff  }
0xe6: {  	v3 =	vld.idx.msk [tilespmem:v3+s2+$0x0], $0xffff  }
0xe7: {  	v7 =	vld [tilespmem:$0x16020]  }
0xe8: {  	v4 =	vld.idx.msk [tilespmem:v4+s2+$0x0], $0xffff  }
0xe9: {  	v8 =	vld [tilespmem:$0x16030]  }
0xea: {  	v2 =	vld.idx.msk [tilespmem:v2+s2+$0x0], $0xffff  }
0xeb: {  	v1 =	vmul.f32 v6, v1;
	v3 =	vmul.f32 v57, v3;
	_ =	sdelay $0x1  }
0xec: {  	v1 =	vadd.f32 v3, v1;
	v3 =	vmul.f32 v7, v4;
	_ =	sdelay $0x1  }
0xed: {  	v2 =	vmul.f32 v8, v2;
	v1 =	vadd.f32 v3, v1;
	_ =	sdelay $0x1  }
0xee: {  	v1 =	vadd.f32 v2, v1  }
0xef: {  	s19 =	sadd.s32 $0x10, s19  }
0xf0: {  	s20 =	simm.s32 $0x0;
	[tilespmem:s19+$0x0] =	vst v1;
	s19 =	simm.s32 $0x14000  }
0xf1: {  	[hbm4b:s10+s20] =	stream.linear.scatter [tilespmem:s19], [sflag:$0x1], $0x2000, $0x38;
	[tilespmem:$0x16100] =	vst v63  }
0xf2: {  	_ =	swait.ge [sflag:s15], $0x2000  }
0xf3: {  	[sflag:s15] =	ssyncset.done $0x0  }
0xf4: {  	[sflag:s15] =	ssyncadd.s32 $0xFFFFE000  }
0xf5: {  	[tilespmem:s20], [sflag:$0x1] =	stream.linear.gather [hbm4b:s11+s20], $0x14000, $0x38;
	[tilespmem:$0x16100] =	vst v63  }
0xf6: {  	_ =	swait.ge [sflag:s15], $0x14000  }
0xf7: {  	[sflag:s15] =	ssyncset.done $0x0  }
0xf8: {  	v1 =	vmov s20;
	[sflag:s15] =	ssyncadd.s32 $0xFFFEC000  }
0xf9: {  	v1 =	vmul.u32 $0xA, v1;
	v2 =	vld [tilespmem:$0x16080]  }
0xfa: {  	v3 =	vld [tilespmem:$0x16090]  }
0xfb: {  	v1 =	vbroadcast v1, $0x0  }
0xfc: {  	v58 =	vld [tilespmem:$0x160A0]  }
0xfd: {  	v1 =	vadd.s32 v0, v1  }
0xfe: {  	v59 =	vld [tilespmem:$0x160B0];
	v2 =	vadd.s32 v1, v2  }
0xff: {  	v3 =	vadd.s32 v1, v3;
	_ =	sdelay $0x1  }
0x100: {  	v60 =	vld [tilespmem:$0x16000];
	v4 =	vadd.s32 v1, v58  }
0x101: {  	v61 =	vld [tilespmem:$0x16010]  }
0x102: {  	v1 =	vadd.s32 v1, v59;
	v2 =	vld.idx.msk [tilespmem:v2+s2+$0x0], $0xffff  }
0x103: {  	v3 =	vld.idx.msk [tilespmem:v3+s2+$0x0], $0xffff  }
0x104: {  	v62 =	vld [tilespmem:$0x16020]  }
0x105: {  	v4 =	vld.idx.msk [tilespmem:v4+s2+$0x0], $0xffff  }
0x106: {  	v63 =	vld [tilespmem:$0x16030]  }
0x107: {  	v1 =	vld.idx.msk [tilespmem:v1+s2+$0x0], $0xffff  }
0x108: {  	v2 =	vmul.f32 v60, v2;
	v3 =	vmul.f32 v61, v3;
	_ =	sdelay $0x1  }
0x109: {  	v2 =	vadd.f32 v3, v2;
	v3 =	vmul.f32 v62, v4;
	_ =	sdelay $0x1  }
0x10a: {  	v1 =	vmul.f32 v63, v1;
	v2 =	vadd.f32 v3, v2;
	_ =	sdelay $0x1  }
0x10b: {  	v1 =	vadd.f32 v1, v2  }
0x10c: {  	s31 =	simm.s32 $0x10  }
0x10d: {  	v2 =	vmov s31;
	[tilespmem:s19+$0x0] =	vst v1  }
0x10e: {  	s20 =	simm.s32 $0x20;
	v2 =	vmul.u32 $0xA, v2;
	v1 =	vld [tilespmem:$0x16080]  }
.LBB2_8:
0x10f: {  	p0 =	sne.s32 s20, $0x1FF0;
	v3 =	vld [tilespmem:$0x16090]  }
0x110: {  	v2 =	vbroadcast v2, $0x0  }
0x111: {  	v4 =	vld [tilespmem:$0x160A0]  }
0x112: {  	v2 =	vadd.s32 v0, v2  }
0x113: {  	v1 =	vadd.s32 v2, v1;
	v5 =	vld [tilespmem:$0x160B0]  }
0x114: {  	v3 =	vadd.s32 v2, v3;
	_ =	sdelay $0x1  }
0x115: {  	v4 =	vadd.s32 v2, v4  }
0x116: {  	v6 =	vld [tilespmem:$0x16000]  }
0x117: {  	v1 =	vld.idx.msk [tilespmem:v1+s2+$0x0], $0xffff;
	v2 =	vadd.s32 v2, v5  }
0x118: {  	v3 =	vld.idx.msk [tilespmem:v3+s2+$0x0], $0xffff  }
0x119: {  	v5 =	vld [tilespmem:$0x16010]  }
0x11a: {  	v4 =	vld.idx.msk [tilespmem:v4+s2+$0x0], $0xffff  }
0x11b: {  	v7 =	vld [tilespmem:$0x16020]  }
0x11c: {  	v2 =	vld.idx.msk [tilespmem:v2+s2+$0x0], $0xffff  }
0x11d: {  	v8 =	vld [tilespmem:$0x16030]  }
0x11e: {  	v1 =	vmul.f32 v6, v1;
	v3 =	vmul.f32 v5, v3;
	_ =	sdelay $0x1  }
0x11f: {  	v1 =	vadd.f32 v3, v1;
	v3 =	vmul.f32 v7, v4;
	_ =	sdelay $0x1  }
0x120: {  	v1 =	vadd.f32 v3, v1;
	v2 =	vmul.f32 v8, v2  }
.Ltmp3:
0x121: {  	(pc) =	sbr.rel @p0 .LBB2_8-.Ltmp3, $4  }
0x122: {  	v1 =	vadd.f32 v2, v1  }
0x123: {  	s19 =	sadd.s32 $0x10, s19  }
0x124: {  	v2 =	vmov s20;
	[tilespmem:s19+$0x0] =	vst v1  }
0x125: {  	s20 =	sadd.s32 $0x10, s20;
	v2 =	vmul.u32 $0xA, v2;
	v1 =	vld [tilespmem:$0x16080]  }
0x126: {  	v3 =	vld [tilespmem:$0x16090]  }
0x127: {  	v2 =	vbroadcast v2, $0x0  }
0x128: {  	v4 =	vld [tilespmem:$0x160A0]  }
0x129: {  	v2 =	vadd.s32 v0, v2  }
0x12a: {  	v5 =	vld [tilespmem:$0x160B0];
	v1 =	vadd.s32 v2, v1  }
0x12b: {  	v3 =	vadd.s32 v2, v3;
	_ =	sdelay $0x1  }
0x12c: {  	v6 =	vld [tilespmem:$0x16000];
	v4 =	vadd.s32 v2, v4  }
0x12d: {  	v63 =	vld [tilespmem:$0x16010]  }
0x12e: {  	v2 =	vadd.s32 v2, v5;
	v1 =	vld.idx.msk [tilespmem:v1+s2+$0x0], $0xffff  }
0x12f: {  	v3 =	vld.idx.msk [tilespmem:v3+s2+$0x0], $0xffff  }
0x130: {  	v7 =	vld [tilespmem:$0x16020]  }
0x131: {  	v4 =	vld.idx.msk [tilespmem:v4+s2+$0x0], $0xffff  }
0x132: {  	v8 =	vld [tilespmem:$0x16030]  }
0x133: {  	v2 =	vld.idx.msk [tilespmem:v2+s2+$0x0], $0xffff  }
0x134: {  	v1 =	vmul.f32 v6, v1;
	v3 =	vmul.f32 v63, v3;
	_ =	sdelay $0x1  }
0x135: {  	v1 =	vadd.f32 v3, v1;
	v3 =	vmul.f32 v7, v4;
	_ =	sdelay $0x1  }
0x136: {  	v2 =	vmul.f32 v8, v2;
	v1 =	vadd.f32 v3, v1;
	_ =	sdelay $0x1  }
0x137: {  	s18 =	sadd.s32 $0x1, s18;
	v1 =	vadd.f32 v2, v1  }
0x138: {  	s19 =	sadd.s32 $0x10, s19;
	p0 =	sne.s32 s18, s13  }
.Ltmp4:
0x139: {  	[tilespmem:s19+$0x0] =	vst v1;
	(pc) =	sbr.rel @p0 .LBB2_1-.Ltmp4, $4  }
0x13a: {  	[hbm4b:s12+s2] =	stream.linear.scatter [tilespmem:s17], [sflag:$0x1], $0x2000, $0x38;
	[tilespmem:$0x16100] =	vst v63  }
0x13b: {  	_ =	swait.ge [sflag:s15], $0x2000  }
0x13c: {  	[sflag:s15] =	ssyncset.done $0x0  }
0x13d: {  	[sflag:s15] =	ssyncadd.s32 $0xFFFFE000  }
0x13e: {  	_ =	sfence.sel $0x180000  }
0x13f: {  	[bflag:$0x0] =	sbarrier.arrive $0xFFFF  }
0x140: {  	p0 =	sne.s32 s1, $0x0;
	_ =	strace $0x90000047  }
0x141: {  	s0 =	sadd.s32 @!p0 $0x100000, s0;
	[bflag:$0x2] =	sbarrier.arrive $0xFFFF  }
0x142: {  	[sflag:s0] =	ssyncadd.tile.s32 @!p0 $0x1;
	_ =	shalt  }
.Lfunc_end2:
_tile_overlayer_lowered:
.L_overlay_start_2:
0x143: {  	(tag) =	ssettag $0x2  }
0x144: {  	s0 =	rddreg [dreg:$0x0];
	s2 =	stileid.u32  }
0x145: {  	s1 =	rddreg [dreg:$0x1];
	p0 =	sne.s32 s2, $0x0  }
0x146: {  	s3 =	rddreg [dreg:$0x2];
	[bflag:$0x3] =	sbarrier.arrive $0xFFFF;
	s2 =	simm.s32 @!p0 $0x1C01  }
0x147: {  	[timem:s3], [sflag:s2] =	dma.local @!p0 [hbm:s0], s1  }
0x148: {  	s0 =	simm.s32 @!p0 $0x1  }
0x149: {  	_ =	swait.ge @!p0 [sflag:s0], s1  }
0x14a: {  	s1 =	ssub.s32 @!p0 $0x0, s1;
	[sflag:s0] =	ssyncset.done @!p0 $0x0  }
0x14b: {  	[sflag:s0] =	ssyncadd.s32 @!p0 s1  }
0x14c: {  	[bflag:$0x3] =	sbarrier.arrive $0xFFFF  }
0x14d: {  	_ =	shalt  }

</sc_bundles>
